<compile_context>
chip_gen: v7x
topology: tpu7x:2x2x1
jax: 0.10.2.dev20260603
libtpu: 0.0.44.dev20260713+nightly
codegen_flags: <defaults>
</compile_context>

<pallas_src>
import functools

import jax
import jax.numpy as jnp
from jax import lax
from jax.experimental import pallas as pl
from jax.experimental.pallas import tpu as pltpu
from jax.experimental.pallas import tpu_sc as plsc

_NW = 32
_SC_BATCHES = 5
_CHUNK = 11520
_NCHUNKS = 2
_SC_BASE = 11 * 9 * 64 * 64 * 4
_TC_ROWS = 11 * 1152 // 16


def _tc_kernel(cls_ref, lab_ref, pred_ref, tgt_ref, inw_ref,
               cls_out_ref, box_out_ref, acc_ref, *, nsteps):
    b = pl.program_id(0)

    @pl.when(b == 0)
    def _init():
        acc_ref[0] = 0.0
        acc_ref[1] = 0.0
        acc_ref[2] = 0.0

    x0 = cls_ref[0, 0]
    x1 = cls_ref[0, 1]
    lab = lab_ref[0]
    keep = (lab != -1.0).astype(jnp.float32)
    m = jnp.maximum(x0, x1)
    lse = m + jnp.log(jnp.exp(x0 - m) + jnp.exp(x1 - m))
    xl = jnp.where(lab == 1.0, x1, x0)
    acc_ref[0] += jnp.sum((lse - xl) * keep)
    acc_ref[1] += jnp.sum(keep)

    v = inw_ref[...] * (pred_ref[...] - tgt_ref[...])
    a = jnp.abs(v)
    sign = (a < (1.0 / 9.0)).astype(jnp.float32)
    in_loss = v * v * 4.5 * sign + (a - 1.0 / 18.0) * (1.0 - sign)
    acc_ref[2] += jnp.sum(in_loss)

    @pl.when(b == nsteps - 1)
    def _fini():
        cls_out_ref[...] = jnp.full((1, 1), acc_ref[0] / acc_ref[1], jnp.float32)
        box_out_ref[...] = jnp.full((1, 1), acc_ref[2], jnp.float32)


def _sc_body(pred_hbm, tgt_hbm, inw_hbm, out_hbm,
             pbuf0, tbuf0, wbuf0, pbuf1, tbuf1, wbuf1, accv, sem0, sem1):
    info = plsc.get_sparse_core_info()
    nc = info.num_cores
    wid = lax.axis_index("s") * nc + lax.axis_index("c")
    base = _SC_BASE + wid * (_CHUNK * _NCHUNKS)

    bufs = ((pbuf0, tbuf0, wbuf0), (pbuf1, tbuf1, wbuf1))
    sems = (sem0, sem1)

    def fire(c):
        s = c % 2
        off = base + c * _CHUNK
        pb, tb, wb = bufs[s]
        return (
            pltpu.async_copy(pred_hbm.at[pl.ds(off, _CHUNK)], pb, sems[s]),
            pltpu.async_copy(tgt_hbm.at[pl.ds(off, _CHUNK)], tb, sems[s]),
            pltpu.async_copy(inw_hbm.at[pl.ds(off, _CHUNK)], wb, sems[s]),
        )

    def chunk_sum(s, acc):
        pb, tb, wb = bufs[s]

        def body(i, a):
            o = i * 64
            for k in range(4):
                p = pb[pl.ds(o + k * 16, 16)]
                t = tb[pl.ds(o + k * 16, 16)]
                w = wb[pl.ds(o + k * 16, 16)]
                v = w * (p - t)
                av = jnp.abs(v)
                a = a + jnp.where(av < (1.0 / 9.0), v * v * 4.5,
                                  av - 1.0 / 18.0)
            return a

        return lax.fori_loop(0, _CHUNK // 64, body, acc)

    acc = jnp.zeros((16,), jnp.float32)
    pending = fire(0)
    for c in range(_NCHUNKS):
        nxt = fire(c + 1) if c + 1 < _NCHUNKS else None
        for d in pending:
            d.wait()
        acc = chunk_sum(c % 2, acc)
        pending = nxt

    accv[...] = acc
    pltpu.sync_copy(accv, out_hbm.at[wid])


@jax.jit
def _run(cls4, lab3, pred2, tgt2, inw2, pred1, tgt1, inw1):
    bs = cls4.shape[0]

    cls_out, box_out = pl.pallas_call(
        functools.partial(_tc_kernel, nsteps=bs),
        grid=(bs,),
        in_specs=[
            pl.BlockSpec((1, 2, 288, 128), lambda b: (b, 0, 0, 0)),
            pl.BlockSpec((1, 288, 128), lambda b: (b, 0, 0)),
            pl.BlockSpec((_TC_ROWS, 128), lambda b: (b, 0)),
            pl.BlockSpec((_TC_ROWS, 128), lambda b: (b, 0)),
            pl.BlockSpec((_TC_ROWS, 128), lambda b: (b, 0)),
        ],
        out_specs=[
            pl.BlockSpec((1, 1), lambda b: (0, 0)),
            pl.BlockSpec((1, 1), lambda b: (0, 0)),
        ],
        out_shape=[
            jax.ShapeDtypeStruct((1, 1), jnp.float32),
            jax.ShapeDtypeStruct((1, 1), jnp.float32),
        ],
        scratch_shapes=[pltpu.SMEM((3,), jnp.float32)],
    )(cls4, lab3, pred2, tgt2, inw2)

    mesh = plsc.VectorSubcoreMesh(core_axis_name="c", subcore_axis_name="s")
    sc_parts = pl.kernel(
        _sc_body,
        out_type=jax.ShapeDtypeStruct((_NW, 16), jnp.float32),
        mesh=mesh,
        scratch_types=[
            pltpu.VMEM((_CHUNK,), jnp.float32),
            pltpu.VMEM((_CHUNK,), jnp.float32),
            pltpu.VMEM((_CHUNK,), jnp.float32),
            pltpu.VMEM((_CHUNK,), jnp.float32),
            pltpu.VMEM((_CHUNK,), jnp.float32),
            pltpu.VMEM((_CHUNK,), jnp.float32),
            pltpu.VMEM((16,), jnp.float32),
            pltpu.SemaphoreType.DMA,
            pltpu.SemaphoreType.DMA,
        ],
    )(pred1, tgt1, inw1)

    box_total = box_out[0, 0] + jnp.sum(sc_parts)
    loss_box = box_total * (1.0 / (256.0 * bs))
    return cls_out[0, 0], loss_box


def kernel(rpn_cls_score_reshape, rpn_bbox_pred, rpn_label, rpn_bbox_targets,
           rpn_bbox_inside_weights, rpn_bbox_outside_weights,
           rpn_anchor_max_overlaps_cls, rpn_anchor_gt_score,
           rpn_anchor_gf_score, batch_size):
    bs = rpn_cls_score_reshape.shape[0]
    n = rpn_label.shape[1]
    cls4 = rpn_cls_score_reshape.reshape(bs, 2, n // 128, 128)
    lab3 = rpn_label.reshape(bs, n // 128, 128)
    nrows = rpn_bbox_pred.size // 128
    pred2 = rpn_bbox_pred.reshape(nrows, 128)
    tgt2 = rpn_bbox_targets.reshape(nrows, 128)
    inw2 = rpn_bbox_inside_weights.reshape(nrows, 128)
    pred1 = rpn_bbox_pred.reshape(-1)
    tgt1 = rpn_bbox_targets.reshape(-1)
    inw1 = rpn_bbox_inside_weights.reshape(-1)
    loss_cls, loss_box = _run(cls4, lab3, pred2, tgt2, inw2, pred1, tgt1, inw1)
    loss_cls = loss_cls * (jnp.float32(batch_size) / jnp.float32(bs))
    return (loss_cls, loss_box)

# --- scband reference (transcript-rebuilt; emitter-appended) ---
"""Pipeline reference for scband-rpn-training-target-49323404427575 (READ-ONLY COPY).

The authoritative reference and input builder live on the scoring server;
editing this copy changes nothing except your own understanding.
"""

import jax, jax.numpy as jnp
import numpy as np

B, A, H, W = 16, 9, 64, 64
N = A * H * W


def _smooth_l1_loss(bbox_pred, bbox_targets, bbox_inside_weights, bbox_outside_weights, sigma=3.0, dim=(1, 2, 3)):
    sigma_2 = sigma ** 2
    box_diff = bbox_pred - bbox_targets
    in_box_diff = bbox_inside_weights * box_diff
    abs_in_box_diff = jnp.abs(in_box_diff)
    smoothL1_sign = jax.lax.stop_gradient((abs_in_box_diff < 1.0 / sigma_2).astype(jnp.float32))
    in_loss_box = jnp.power(in_box_diff, 2) * (sigma_2 / 2.0) * smoothL1_sign + (abs_in_box_diff - 0.5 / sigma_2) * (1.0 - smoothL1_sign)
    out_loss_box = bbox_outside_weights * in_loss_box
    loss_box = out_loss_box
    for i in sorted(dim, reverse=True):
        loss_box = loss_box.sum(axis=i)
    return loss_box.mean()


def setup_inputs(seed: int = 0):
    key = jax.random.key(seed)
    ks = jax.random.split(key, 9)
    rpn_cls_score_reshape = jax.random.normal(ks[0], (B, 2, A * H, W), dtype=jnp.float32)
    rpn_bbox_pred = jax.random.normal(ks[1], (B, 4 * A, H, W), dtype=jnp.float32) * 0.1
    r = jax.random.randint(ks[2], (B, N), 0, 3)
    # labels in {-1 (ignore), 0 (bg), 1 (fg)} as produced by the anchor target layer
    rpn_label = jnp.where(r == 2, -1, r).astype(jnp.float32)
    rpn_bbox_targets = jax.random.normal(ks[3], (B, 4 * A, H, W), dtype=jnp.float32) * 0.1
    rpn_bbox_inside_weights = (jax.random.uniform(ks[4], (B, 4 * A, H, W)) < 0.05).astype(jnp.float32)
    rpn_bbox_outside_weights = jnp.full((B, 4 * A, H, W), 1.0 / 256.0, dtype=jnp.float32)
    # cls ids in 1..8 (assert in original requires no zeros)
    rpn_anchor_max_overlaps_cls = jax.random.randint(ks[5], (B, N), 1, 9).astype(jnp.int32)
    rpn_anchor_gt_score = jax.random.uniform(ks[6], (B, N), dtype=jnp.float32)
    rpn_anchor_gf_score = jax.random.uniform(ks[7], (B, N), dtype=jnp.float32)
    return {
        "rpn_cls_score_reshape": rpn_cls_score_reshape,
        "rpn_bbox_pred": rpn_bbox_pred,
        "rpn_label": rpn_label,
        "rpn_bbox_targets": rpn_bbox_targets,
        "rpn_bbox_inside_weights": rpn_bbox_inside_weights,
        "rpn_bbox_outside_weights": rpn_bbox_outside_weights,
        "rpn_anchor_max_overlaps_cls": rpn_anchor_max_overlaps_cls,
        "rpn_anchor_gt_score": rpn_anchor_gt_score,
        "rpn_anchor_gf_score": rpn_anchor_gf_score,
        "batch_size": B,
    }


def reference(rpn_cls_score_reshape, rpn_bbox_pred, rpn_label, rpn_bbox_targets, rpn_bbox_inside_weights, rpn_bbox_outside_weights, rpn_anchor_max_overlaps_cls, rpn_anchor_gt_score, rpn_anchor_gf_score, batch_size):
    bs = rpn_cls_score_reshape.shape[0]
    rpn_cls_score = jnp.transpose(rpn_cls_score_reshape, (0, 2, 3, 1)).reshape(bs, -1, 2)
    flat_label = rpn_label.reshape(bs, -1).reshape(-1)
    keep_mask = flat_label != -1
    keep_f = keep_mask.astype(jnp.float32)
    all_scores = rpn_cls_score.reshape(-1, 2)
    all_label = jnp.where(keep_mask, flat_label, 0.0).astype(jnp.int32)
    all_cls = rpn_anchor_max_overlaps_cls.reshape(-1)
    all_gt = rpn_anchor_gt_score.reshape(-1).astype(jnp.float32)
    all_gf = rpn_anchor_gf_score.reshape(-1).astype(jnp.float32)
    gt_w = (all_gt > 0.5).astype(jnp.float32) * jnp.power(all_gt, 5)
    gf_w = (all_gf > 0.5).astype(jnp.float32) * jnp.power(all_gf, 5)
    lw = all_label.astype(jnp.float32)
    rpn_score_weight = jax.lax.stop_gradient((gt_w * lw + gf_w * (1.0 - lw)) * keep_f)  # computed but unused downstream, matching original
    weight = jnp.array([0.0] + [1.0] * 20, dtype=jnp.float32)
    label_weight = jnp.take(weight, all_cls) * keep_f  # computed but unused, matching original
    logp = jax.nn.log_softmax(all_scores, axis=-1)
    per_elem = -jnp.take_along_axis(logp, all_label[:, None], axis=1).squeeze(1)
    rpn_loss_cls = (per_elem * keep_f).sum() / keep_f.sum()
    rpn_loss_cls = rpn_loss_cls * (batch_size / bs)
    rpn_loss_box = _smooth_l1_loss(rpn_bbox_pred, rpn_bbox_targets, rpn_bbox_inside_weights, rpn_bbox_outside_weights, sigma=3.0, dim=(1, 2, 3))
    return (rpn_loss_cls, rpn_loss_box)

if __name__ == "__main__":
    import jax
    _d = setup_inputs()
    print(jax.jit(kernel)(*tuple(_d.values())))

</pallas_src>

<mosaic_0001>
#map = affine_map<(d0, d1) -> (0)>
#map1 = affine_map<(d0, d1) -> (0, 0)>
module attributes {stable_mosaic.version = 14 : i64} {
  func.func @_sc_body(%arg0: i32, %arg1: i32, %arg2: memref<2359296xf32, #tpu.memory_space<hbm>>, %arg3: memref<2359296xf32, #tpu.memory_space<hbm>>, %arg4: memref<2359296xf32, #tpu.memory_space<hbm>>, %arg5: memref<32x16xf32, #tpu.memory_space<hbm>>, %arg6: memref<11520xf32, #tpu.memory_space<vmem>>, %arg7: memref<11520xf32, #tpu.memory_space<vmem>>, %arg8: memref<11520xf32, #tpu.memory_space<vmem>>, %arg9: memref<11520xf32, #tpu.memory_space<vmem>>, %arg10: memref<11520xf32, #tpu.memory_space<vmem>>, %arg11: memref<11520xf32, #tpu.memory_space<vmem>>, %arg12: memref<16xf32, #tpu.memory_space<vmem>>, %arg13: memref<!tpu.dma_semaphore, #tpu.memory_space<semaphore_mem>>, %arg14: memref<!tpu.dma_semaphore, #tpu.memory_space<semaphore_mem>>) attributes {dimension_semantics = [#tpu.dimension_semantics<core_parallel>, #tpu.dimension_semantics<subcore_parallel>], iteration_bounds = array<i64: 2, 16>, scalar_prefetch = 0 : i64, scratch_operands = 9 : i64, tpu.core_type = #tpu.core_type<sc_vector_subcore>, window_params = [{transform_indices = #map}, {transform_indices = #map}, {transform_indices = #map}, {transform_indices = #map1}]} {
    %mul3A = arith.constant 2 : i32
    %mul3A_0 = arith.muli %arg1, %mul3A : i32
    %add3A = arith.addi %mul3A_0, %arg0 : i32
    %mul3A_1 = arith.constant 23040 : i32
    %mul3A_2 = arith.muli %add3A, %mul3A_1 : i32
    %add3A_3 = arith.constant 1622016 : i32
    %add3A_4 = arith.addi %add3A_3, %mul3A_2 : i32
    %broadcast_in_dim3A = arith.constant 0.000000e+00 : f32
    %broadcast_in_dim3A_5 = vector.broadcast %broadcast_in_dim3A : f32 to vector<16xf32>
    %add3A_6 = arith.constant 0 : i32
    %add3A_7 = arith.addi %add3A_4, %add3A_6 : i32
    %dma_start3A = tpu.memref_slice %arg2[%add3A_7] : memref<2359296xf32, #tpu.memory_space<hbm>> -> memref<11520xf32, #tpu.memory_space<hbm>>
    %dma_start3A_8 = tpu.memref_slice %arg2[%add3A_7] : memref<2359296xf32, #tpu.memory_space<hbm>> -> memref<11520xf32, #tpu.memory_space<hbm>>
    tpu.enqueue_dma source(%dma_start3A_8 : memref<11520xf32, #tpu.memory_space<hbm>>) target(%arg6 : memref<11520xf32, #tpu.memory_space<vmem>>) target_semaphore(%arg13 : memref<!tpu.dma_semaphore, #tpu.memory_space<semaphore_mem>>)
    %dma_start3A_9 = tpu.memref_slice %arg3[%add3A_7] : memref<2359296xf32, #tpu.memory_space<hbm>> -> memref<11520xf32, #tpu.memory_space<hbm>>
    %dma_start3A_10 = tpu.memref_slice %arg3[%add3A_7] : memref<2359296xf32, #tpu.memory_space<hbm>> -> memref<11520xf32, #tpu.memory_space<hbm>>
    tpu.enqueue_dma source(%dma_start3A_10 : memref<11520xf32, #tpu.memory_space<hbm>>) target(%arg7 : memref<11520xf32, #tpu.memory_space<vmem>>) target_semaphore(%arg13 : memref<!tpu.dma_semaphore, #tpu.memory_space<semaphore_mem>>)
    %dma_start3A_11 = tpu.memref_slice %arg4[%add3A_7] : memref<2359296xf32, #tpu.memory_space<hbm>> -> memref<11520xf32, #tpu.memory_space<hbm>>
    %dma_start3A_12 = tpu.memref_slice %arg4[%add3A_7] : memref<2359296xf32, #tpu.memory_space<hbm>> -> memref<11520xf32, #tpu.memory_space<hbm>>
    tpu.enqueue_dma source(%dma_start3A_12 : memref<11520xf32, #tpu.memory_space<hbm>>) target(%arg8 : memref<11520xf32, #tpu.memory_space<vmem>>) target_semaphore(%arg13 : memref<!tpu.dma_semaphore, #tpu.memory_space<semaphore_mem>>)
    %add3A_13 = arith.constant 11520 : i32
    %add3A_14 = arith.addi %add3A_4, %add3A_13 : i32
    %dma_start3A_15 = tpu.memref_slice %arg2[%add3A_14] : memref<2359296xf32, #tpu.memory_space<hbm>> -> memref<11520xf32, #tpu.memory_space<hbm>>
    %dma_start3A_16 = tpu.memref_slice %arg2[%add3A_14] : memref<2359296xf32, #tpu.memory_space<hbm>> -> memref<11520xf32, #tpu.memory_space<hbm>>
    tpu.enqueue_dma source(%dma_start3A_16 : memref<11520xf32, #tpu.memory_space<hbm>>) target(%arg9 : memref<11520xf32, #tpu.memory_space<vmem>>) target_semaphore(%arg14 : memref<!tpu.dma_semaphore, #tpu.memory_space<semaphore_mem>>)
    %dma_start3A_17 = tpu.memref_slice %arg3[%add3A_14] : memref<2359296xf32, #tpu.memory_space<hbm>> -> memref<11520xf32, #tpu.memory_space<hbm>>
    %dma_start3A_18 = tpu.memref_slice %arg3[%add3A_14] : memref<2359296xf32, #tpu.memory_space<hbm>> -> memref<11520xf32, #tpu.memory_space<hbm>>
    tpu.enqueue_dma source(%dma_start3A_18 : memref<11520xf32, #tpu.memory_space<hbm>>) target(%arg10 : memref<11520xf32, #tpu.memory_space<vmem>>) target_semaphore(%arg14 : memref<!tpu.dma_semaphore, #tpu.memory_space<semaphore_mem>>)
    %dma_start3A_19 = tpu.memref_slice %arg4[%add3A_14] : memref<2359296xf32, #tpu.memory_space<hbm>> -> memref<11520xf32, #tpu.memory_space<hbm>>
    %dma_start3A_20 = tpu.memref_slice %arg4[%add3A_14] : memref<2359296xf32, #tpu.memory_space<hbm>> -> memref<11520xf32, #tpu.memory_space<hbm>>
    tpu.enqueue_dma source(%dma_start3A_20 : memref<11520xf32, #tpu.memory_space<hbm>>) target(%arg11 : memref<11520xf32, #tpu.memory_space<vmem>>) target_semaphore(%arg14 : memref<!tpu.dma_semaphore, #tpu.memory_space<semaphore_mem>>)
    %dma_wait3A = tpu.memref_slice %arg2[%add3A_7] : memref<2359296xf32, #tpu.memory_space<hbm>> -> memref<11520xf32, #tpu.memory_space<hbm>>
    %dma_wait3A_21 = tpu.memref_slice %arg2[%add3A_7] : memref<2359296xf32, #tpu.memory_space<hbm>> -> memref<11520xf32, #tpu.memory_space<hbm>>
    tpu.wait_dma2 semaphore(%arg13 : memref<!tpu.dma_semaphore, #tpu.memory_space<semaphore_mem>>) src(%dma_wait3A_21 : memref<11520xf32, #tpu.memory_space<hbm>>) dst(%arg6 : memref<11520xf32, #tpu.memory_space<vmem>>)
    %dma_wait3A_22 = tpu.memref_slice %arg3[%add3A_7] : memref<2359296xf32, #tpu.memory_space<hbm>> -> memref<11520xf32, #tpu.memory_space<hbm>>
    %dma_wait3A_23 = tpu.memref_slice %arg3[%add3A_7] : memref<2359296xf32, #tpu.memory_space<hbm>> -> memref<11520xf32, #tpu.memory_space<hbm>>
    tpu.wait_dma2 semaphore(%arg13 : memref<!tpu.dma_semaphore, #tpu.memory_space<semaphore_mem>>) src(%dma_wait3A_23 : memref<11520xf32, #tpu.memory_space<hbm>>) dst(%arg7 : memref<11520xf32, #tpu.memory_space<vmem>>)
    %dma_wait3A_24 = tpu.memref_slice %arg4[%add3A_7] : memref<2359296xf32, #tpu.memory_space<hbm>> -> memref<11520xf32, #tpu.memory_space<hbm>>
    %dma_wait3A_25 = tpu.memref_slice %arg4[%add3A_7] : memref<2359296xf32, #tpu.memory_space<hbm>> -> memref<11520xf32, #tpu.memory_space<hbm>>
    tpu.wait_dma2 semaphore(%arg13 : memref<!tpu.dma_semaphore, #tpu.memory_space<semaphore_mem>>) src(%dma_wait3A_25 : memref<11520xf32, #tpu.memory_space<hbm>>) dst(%arg8 : memref<11520xf32, #tpu.memory_space<vmem>>)
    %scan3A = arith.constant 0 : i32
    %scan3A_26 = arith.constant 180 : i32
    %scan3A_27 = arith.addi %scan3A, %scan3A_26 : i32
    %scan3A_28 = arith.constant 1 : i32
    %scan3A_29 = scf.for %scan3A_46 = %scan3A to %scan3A_27 step %scan3A_28 iter_args(%scan3A_47 = %broadcast_in_dim3A_5) -> (vector<16xf32>)  : i32 {
      %mul3A_48 = arith.constant 64 : i32
      %mul3A_49 = arith.muli %scan3A_46, %mul3A_48 : i32
      %add3A_50 = arith.constant 0 : i32
      %add3A_51 = arith.addi %mul3A_49, %add3A_50 : i32
      %get3A = arith.index_cast %add3A_51 : i32 to index
      %get3A_52 = tpu.vector_load %arg6[%get3A] {strides = array<i32>} : memref<11520xf32, #tpu.memory_space<vmem>>, vector<16xf32>,
      %get3A_53 = vector.shape_cast %get3A_52 : vector<16xf32> to vector<16xf32>
      %add3A_54 = arith.constant 0 : i32
      %add3A_55 = arith.addi %mul3A_49, %add3A_54 : i32
      %get3A_56 = arith.index_cast %add3A_55 : i32 to index
      %get3A_57 = tpu.vector_load %arg7[%get3A_56] {strides = array<i32>} : memref<11520xf32, #tpu.memory_space<vmem>>, vector<16xf32>,
      %get3A_58 = vector.shape_cast %get3A_57 : vector<16xf32> to vector<16xf32>
      %add3A_59 = arith.constant 0 : i32
      %add3A_60 = arith.addi %mul3A_49, %add3A_59 : i32
      %get3A_61 = arith.index_cast %add3A_60 : i32 to index
      %get3A_62 = tpu.vector_load %arg8[%get3A_61] {strides = array<i32>} : memref<11520xf32, #tpu.memory_space<vmem>>, vector<16xf32>,
      %get3A_63 = vector.shape_cast %get3A_62 : vector<16xf32> to vector<16xf32>
      %sub3A = arith.subf %get3A_53, %get3A_58 : vector<16xf32>
      %mul3A_64 = arith.mulf %get3A_63, %sub3A : vector<16xf32>
      %abs3A = math.absf %mul3A_64 : vector<16xf32>
      %lt3A = arith.constant 0.111111112 : f32
      %lt3A_65 = vector.broadcast %lt3A : f32 to vector<16xf32>
      %lt3A_66 = arith.cmpf olt, %abs3A, %lt3A_65 : vector<16xf32>
      %mul3A_67 = arith.mulf %mul3A_64, %mul3A_64 : vector<16xf32>
      %mul3A_68 = arith.constant 4.500000e+00 : f32
      %mul3A_69 = vector.broadcast %mul3A_68 : f32 to vector<16xf32>
      %mul3A_70 = arith.mulf %mul3A_67, %mul3A_69 : vector<16xf32>
      %sub3A_71 = arith.constant 0.055555556 : f32
      %sub3A_72 = vector.broadcast %sub3A_71 : f32 to vector<16xf32>
      %sub3A_73 = arith.subf %abs3A, %sub3A_72 : vector<16xf32>
      %select_n3A = arith.select %lt3A_66, %mul3A_70, %sub3A_73 : vector<16xi1>, vector<16xf32>
      %add3A_74 = arith.addf %scan3A_47, %select_n3A : vector<16xf32>
      %add3A_75 = arith.constant 16 : i32
      %add3A_76 = arith.addi %mul3A_49, %add3A_75 : i32
      %get3A_77 = arith.index_cast %add3A_76 : i32 to index
      %get3A_78 = tpu.vector_load %arg6[%get3A_77] {strides = array<i32>} : memref<11520xf32, #tpu.memory_space<vmem>>, vector<16xf32>,
      %get3A_79 = vector.shape_cast %get3A_78 : vector<16xf32> to vector<16xf32>
      %add3A_80 = arith.constant 16 : i32
      %add3A_81 = arith.addi %mul3A_49, %add3A_80 : i32
      %get3A_82 = arith.index_cast %add3A_81 : i32 to index
      %get3A_83 = tpu.vector_load %arg7[%get3A_82] {strides = array<i32>} : memref<11520xf32, #tpu.memory_space<vmem>>, vector<16xf32>,
      %get3A_84 = vector.shape_cast %get3A_83 : vector<16xf32> to vector<16xf32>
      %add3A_85 = arith.constant 16 : i32
      %add3A_86 = arith.addi %mul3A_49, %add3A_85 : i32
      %get3A_87 = arith.index_cast %add3A_86 : i32 to index
      %get3A_88 = tpu.vector_load %arg8[%get3A_87] {strides = array<i32>} : memref<11520xf32, #tpu.memory_space<vmem>>, vector<16xf32>,
      %get3A_89 = vector.shape_cast %get3A_88 : vector<16xf32> to vector<16xf32>
      %sub3A_90 = arith.subf %get3A_79, %get3A_84 : vector<16xf32>
      %mul3A_91 = arith.mulf %get3A_89, %sub3A_90 : vector<16xf32>
      %abs3A_92 = math.absf %mul3A_91 : vector<16xf32>
      %lt3A_93 = arith.constant 0.111111112 : f32
      %lt3A_94 = vector.broadcast %lt3A_93 : f32 to vector<16xf32>
      %lt3A_95 = arith.cmpf olt, %abs3A_92, %lt3A_94 : vector<16xf32>
      %mul3A_96 = arith.mulf %mul3A_91, %mul3A_91 : vector<16xf32>
      %mul3A_97 = arith.constant 4.500000e+00 : f32
      %mul3A_98 = vector.broadcast %mul3A_97 : f32 to vector<16xf32>
      %mul3A_99 = arith.mulf %mul3A_96, %mul3A_98 : vector<16xf32>
      %sub3A_100 = arith.constant 0.055555556 : f32
      %sub3A_101 = vector.broadcast %sub3A_100 : f32 to vector<16xf32>
      %sub3A_102 = arith.subf %abs3A_92, %sub3A_101 : vector<16xf32>
      %select_n3A_103 = arith.select %lt3A_95, %mul3A_99, %sub3A_102 : vector<16xi1>, vector<16xf32>
      %add3A_104 = arith.addf %add3A_74, %select_n3A_103 : vector<16xf32>
      %add3A_105 = arith.constant 32 : i32
      %add3A_106 = arith.addi %mul3A_49, %add3A_105 : i32
      %get3A_107 = arith.index_cast %add3A_106 : i32 to index
      %get3A_108 = tpu.vector_load %arg6[%get3A_107] {strides = array<i32>} : memref<11520xf32, #tpu.memory_space<vmem>>, vector<16xf32>,
      %get3A_109 = vector.shape_cast %get3A_108 : vector<16xf32> to vector<16xf32>
      %add3A_110 = arith.constant 32 : i32
      %add3A_111 = arith.addi %mul3A_49, %add3A_110 : i32
      %get3A_112 = arith.index_cast %add3A_111 : i32 to index
      %get3A_113 = tpu.vector_load %arg7[%get3A_112] {strides = array<i32>} : memref<11520xf32, #tpu.memory_space<vmem>>, vector<16xf32>,
      %get3A_114 = vector.shape_cast %get3A_113 : vector<16xf32> to vector<16xf32>
      %add3A_115 = arith.constant 32 : i32
      %add3A_116 = arith.addi %mul3A_49, %add3A_115 : i32
      %get3A_117 = arith.index_cast %add3A_116 : i32 to index
      %get3A_118 = tpu.vector_load %arg8[%get3A_117] {strides = array<i32>} : memref<11520xf32, #tpu.memory_space<vmem>>, vector<16xf32>,
      %get3A_119 = vector.shape_cast %get3A_118 : vector<16xf32> to vector<16xf32>
      %sub3A_120 = arith.subf %get3A_109, %get3A_114 : vector<16xf32>
      %mul3A_121 = arith.mulf %get3A_119, %sub3A_120 : vector<16xf32>
      %abs3A_122 = math.absf %mul3A_121 : vector<16xf32>
      %lt3A_123 = arith.constant 0.111111112 : f32
      %lt3A_124 = vector.broadcast %lt3A_123 : f32 to vector<16xf32>
      %lt3A_125 = arith.cmpf olt, %abs3A_122, %lt3A_124 : vector<16xf32>
      %mul3A_126 = arith.mulf %mul3A_121, %mul3A_121 : vector<16xf32>
      %mul3A_127 = arith.constant 4.500000e+00 : f32
      %mul3A_128 = vector.broadcast %mul3A_127 : f32 to vector<16xf32>
      %mul3A_129 = arith.mulf %mul3A_126, %mul3A_128 : vector<16xf32>
      %sub3A_130 = arith.constant 0.055555556 : f32
      %sub3A_131 = vector.broadcast %sub3A_130 : f32 to vector<16xf32>
      %sub3A_132 = arith.subf %abs3A_122, %sub3A_131 : vector<16xf32>
      %select_n3A_133 = arith.select %lt3A_125, %mul3A_129, %sub3A_132 : vector<16xi1>, vector<16xf32>
      %add3A_134 = arith.addf %add3A_104, %select_n3A_133 : vector<16xf32>
      %add3A_135 = arith.constant 48 : i32
      %add3A_136 = arith.addi %mul3A_49, %add3A_135 : i32
      %get3A_137 = arith.index_cast %add3A_136 : i32 to index
      %get3A_138 = tpu.vector_load %arg6[%get3A_137] {strides = array<i32>} : memref<11520xf32, #tpu.memory_space<vmem>>, vector<16xf32>,
      %get3A_139 = vector.shape_cast %get3A_138 : vector<16xf32> to vector<16xf32>
      %add3A_140 = arith.constant 48 : i32
      %add3A_141 = arith.addi %mul3A_49, %add3A_140 : i32
      %get3A_142 = arith.index_cast %add3A_141 : i32 to index
      %get3A_143 = tpu.vector_load %arg7[%get3A_142] {strides = array<i32>} : memref<11520xf32, #tpu.memory_space<vmem>>, vector<16xf32>,
      %get3A_144 = vector.shape_cast %get3A_143 : vector<16xf32> to vector<16xf32>
      %add3A_145 = arith.constant 48 : i32
      %add3A_146 = arith.addi %mul3A_49, %add3A_145 : i32
      %get3A_147 = arith.index_cast %add3A_146 : i32 to index
      %get3A_148 = tpu.vector_load %arg8[%get3A_147] {strides = array<i32>} : memref<11520xf32, #tpu.memory_space<vmem>>, vector<16xf32>,
      %get3A_149 = vector.shape_cast %get3A_148 : vector<16xf32> to vector<16xf32>
      %sub3A_150 = arith.subf %get3A_139, %get3A_144 : vector<16xf32>
      %mul3A_151 = arith.mulf %get3A_149, %sub3A_150 : vector<16xf32>
      %abs3A_152 = math.absf %mul3A_151 : vector<16xf32>
      %lt3A_153 = arith.constant 0.111111112 : f32
      %lt3A_154 = vector.broadcast %lt3A_153 : f32 to vector<16xf32>
      %lt3A_155 = arith.cmpf olt, %abs3A_152, %lt3A_154 : vector<16xf32>
      %mul3A_156 = arith.mulf %mul3A_151, %mul3A_151 : vector<16xf32>
      %mul3A_157 = arith.constant 4.500000e+00 : f32
      %mul3A_158 = vector.broadcast %mul3A_157 : f32 to vector<16xf32>
      %mul3A_159 = arith.mulf %mul3A_156, %mul3A_158 : vector<16xf32>
      %sub3A_160 = arith.constant 0.055555556 : f32
      %sub3A_161 = vector.broadcast %sub3A_160 : f32 to vector<16xf32>
      %sub3A_162 = arith.subf %abs3A_152, %sub3A_161 : vector<16xf32>
      %select_n3A_163 = arith.select %lt3A_155, %mul3A_159, %sub3A_162 : vector<16xi1>, vector<16xf32>
      %add3A_164 = arith.addf %add3A_134, %select_n3A_163 : vector<16xf32>
      scf.yield %add3A_164 : vector<16xf32>
    }
    %scan3A_30 = arith.constant 180 : i32
    %dma_wait3A_31 = tpu.memref_slice %arg2[%add3A_14] : memref<2359296xf32, #tpu.memory_space<hbm>> -> memref<11520xf32, #tpu.memory_space<hbm>>
    %dma_wait3A_32 = tpu.memref_slice %arg2[%add3A_14] : memref<2359296xf32, #tpu.memory_space<hbm>> -> memref<11520xf32, #tpu.memory_space<hbm>>
    tpu.wait_dma2 semaphore(%arg14 : memref<!tpu.dma_semaphore, #tpu.memory_space<semaphore_mem>>) src(%dma_wait3A_32 : memref<11520xf32, #tpu.memory_space<hbm>>) dst(%arg9 : memref<11520xf32, #tpu.memory_space<vmem>>)
    %dma_wait3A_33 = tpu.memref_slice %arg3[%add3A_14] : memref<2359296xf32, #tpu.memory_space<hbm>> -> memref<11520xf32, #tpu.memory_space<hbm>>
    %dma_wait3A_34 = tpu.memref_slice %arg3[%add3A_14] : memref<2359296xf32, #tpu.memory_space<hbm>> -> memref<11520xf32, #tpu.memory_space<hbm>>
    tpu.wait_dma2 semaphore(%arg14 : memref<!tpu.dma_semaphore, #tpu.memory_space<semaphore_mem>>) src(%dma_wait3A_34 : memref<11520xf32, #tpu.memory_space<hbm>>) dst(%arg10 : memref<11520xf32, #tpu.memory_space<vmem>>)
    %dma_wait3A_35 = tpu.memref_slice %arg4[%add3A_14] : memref<2359296xf32, #tpu.memory_space<hbm>> -> memref<11520xf32, #tpu.memory_space<hbm>>
    %dma_wait3A_36 = tpu.memref_slice %arg4[%add3A_14] : memref<2359296xf32, #tpu.memory_space<hbm>> -> memref<11520xf32, #tpu.memory_space<hbm>>
    tpu.wait_dma2 semaphore(%arg14 : memref<!tpu.dma_semaphore, #tpu.memory_space<semaphore_mem>>) src(%dma_wait3A_36 : memref<11520xf32, #tpu.memory_space<hbm>>) dst(%arg11 : memref<11520xf32, #tpu.memory_space<vmem>>)
    %scan3A_37 = arith.constant 0 : i32
    %scan3A_38 = arith.constant 180 : i32
    %scan3A_39 = arith.addi %scan3A_37, %scan3A_38 : i32
    %scan3A_40 = arith.constant 1 : i32
    %scan3A_41 = scf.for %scan3A_46 = %scan3A_37 to %scan3A_39 step %scan3A_40 iter_args(%scan3A_47 = %scan3A_29) -> (vector<16xf32>)  : i32 {
      %mul3A_48 = arith.constant 64 : i32
      %mul3A_49 = arith.muli %scan3A_46, %mul3A_48 : i32
      %add3A_50 = arith.constant 0 : i32
      %add3A_51 = arith.addi %mul3A_49, %add3A_50 : i32
      %get3A = arith.index_cast %add3A_51 : i32 to index
      %get3A_52 = tpu.vector_load %arg9[%get3A] {strides = array<i32>} : memref<11520xf32, #tpu.memory_space<vmem>>, vector<16xf32>,
      %get3A_53 = vector.shape_cast %get3A_52 : vector<16xf32> to vector<16xf32>
      %add3A_54 = arith.constant 0 : i32
      %add3A_55 = arith.addi %mul3A_49, %add3A_54 : i32
      %get3A_56 = arith.index_cast %add3A_55 : i32 to index
      %get3A_57 = tpu.vector_load %arg10[%get3A_56] {strides = array<i32>} : memref<11520xf32, #tpu.memory_space<vmem>>, vector<16xf32>,
      %get3A_58 = vector.shape_cast %get3A_57 : vector<16xf32> to vector<16xf32>
      %add3A_59 = arith.constant 0 : i32
      %add3A_60 = arith.addi %mul3A_49, %add3A_59 : i32
      %get3A_61 = arith.index_cast %add3A_60 : i32 to index
      %get3A_62 = tpu.vector_load %arg11[%get3A_61] {strides = array<i32>} : memref<11520xf32, #tpu.memory_space<vmem>>, vector<16xf32>,
      %get3A_63 = vector.shape_cast %get3A_62 : vector<16xf32> to vector<16xf32>
      %sub3A = arith.subf %get3A_53, %get3A_58 : vector<16xf32>
      %mul3A_64 = arith.mulf %get3A_63, %sub3A : vector<16xf32>
      %abs3A = math.absf %mul3A_64 : vector<16xf32>
      %lt3A = arith.constant 0.111111112 : f32
      %lt3A_65 = vector.broadcast %lt3A : f32 to vector<16xf32>
      %lt3A_66 = arith.cmpf olt, %abs3A, %lt3A_65 : vector<16xf32>
      %mul3A_67 = arith.mulf %mul3A_64, %mul3A_64 : vector<16xf32>
      %mul3A_68 = arith.constant 4.500000e+00 : f32
      %mul3A_69 = vector.broadcast %mul3A_68 : f32 to vector<16xf32>
      %mul3A_70 = arith.mulf %mul3A_67, %mul3A_69 : vector<16xf32>
      %sub3A_71 = arith.constant 0.055555556 : f32
      %sub3A_72 = vector.broadcast %sub3A_71 : f32 to vector<16xf32>
      %sub3A_73 = arith.subf %abs3A, %sub3A_72 : vector<16xf32>
      %select_n3A = arith.select %lt3A_66, %mul3A_70, %sub3A_73 : vector<16xi1>, vector<16xf32>
      %add3A_74 = arith.addf %scan3A_47, %select_n3A : vector<16xf32>
      %add3A_75 = arith.constant 16 : i32
      %add3A_76 = arith.addi %mul3A_49, %add3A_75 : i32
      %get3A_77 = arith.index_cast %add3A_76 : i32 to index
      %get3A_78 = tpu.vector_load %arg9[%get3A_77] {strides = array<i32>} : memref<11520xf32, #tpu.memory_space<vmem>>, vector<16xf32>,
      %get3A_79 = vector.shape_cast %get3A_78 : vector<16xf32> to vector<16xf32>
      %add3A_80 = arith.constant 16 : i32
      %add3A_81 = arith.addi %mul3A_49, %add3A_80 : i32
      %get3A_82 = arith.index_cast %add3A_81 : i32 to index
      %get3A_83 = tpu.vector_load %arg10[%get3A_82] {strides = array<i32>} : memref<11520xf32, #tpu.memory_space<vmem>>, vector<16xf32>,
      %get3A_84 = vector.shape_cast %get3A_83 : vector<16xf32> to vector<16xf32>
      %add3A_85 = arith.constant 16 : i32
      %add3A_86 = arith.addi %mul3A_49, %add3A_85 : i32
      %get3A_87 = arith.index_cast %add3A_86 : i32 to index
      %get3A_88 = tpu.vector_load %arg11[%get3A_87] {strides = array<i32>} : memref<11520xf32, #tpu.memory_space<vmem>>, vector<16xf32>,
      %get3A_89 = vector.shape_cast %get3A_88 : vector<16xf32> to vector<16xf32>
      %sub3A_90 = arith.subf %get3A_79, %get3A_84 : vector<16xf32>
      %mul3A_91 = arith.mulf %get3A_89, %sub3A_90 : vector<16xf32>
      %abs3A_92 = math.absf %mul3A_91 : vector<16xf32>
      %lt3A_93 = arith.constant 0.111111112 : f32
      %lt3A_94 = vector.broadcast %lt3A_93 : f32 to vector<16xf32>
      %lt3A_95 = arith.cmpf olt, %abs3A_92, %lt3A_94 : vector<16xf32>
      %mul3A_96 = arith.mulf %mul3A_91, %mul3A_91 : vector<16xf32>
      %mul3A_97 = arith.constant 4.500000e+00 : f32
      %mul3A_98 = vector.broadcast %mul3A_97 : f32 to vector<16xf32>
      %mul3A_99 = arith.mulf %mul3A_96, %mul3A_98 : vector<16xf32>
      %sub3A_100 = arith.constant 0.055555556 : f32
      %sub3A_101 = vector.broadcast %sub3A_100 : f32 to vector<16xf32>
      %sub3A_102 = arith.subf %abs3A_92, %sub3A_101 : vector<16xf32>
      %select_n3A_103 = arith.select %lt3A_95, %mul3A_99, %sub3A_102 : vector<16xi1>, vector<16xf32>
      %add3A_104 = arith.addf %add3A_74, %select_n3A_103 : vector<16xf32>
      %add3A_105 = arith.constant 32 : i32
      %add3A_106 = arith.addi %mul3A_49, %add3A_105 : i32
      %get3A_107 = arith.index_cast %add3A_106 : i32 to index
      %get3A_108 = tpu.vector_load %arg9[%get3A_107] {strides = array<i32>} : memref<11520xf32, #tpu.memory_space<vmem>>, vector<16xf32>,
      %get3A_109 = vector.shape_cast %get3A_108 : vector<16xf32> to vector<16xf32>
      %add3A_110 = arith.constant 32 : i32
      %add3A_111 = arith.addi %mul3A_49, %add3A_110 : i32
      %get3A_112 = arith.index_cast %add3A_111 : i32 to index
      %get3A_113 = tpu.vector_load %arg10[%get3A_112] {strides = array<i32>} : memref<11520xf32, #tpu.memory_space<vmem>>, vector<16xf32>,
      %get3A_114 = vector.shape_cast %get3A_113 : vector<16xf32> to vector<16xf32>
      %add3A_115 = arith.constant 32 : i32
      %add3A_116 = arith.addi %mul3A_49, %add3A_115 : i32
      %get3A_117 = arith.index_cast %add3A_116 : i32 to index
      %get3A_118 = tpu.vector_load %arg11[%get3A_117] {strides = array<i32>} : memref<11520xf32, #tpu.memory_space<vmem>>, vector<16xf32>,
      %get3A_119 = vector.shape_cast %get3A_118 : vector<16xf32> to vector<16xf32>
      %sub3A_120 = arith.subf %get3A_109, %get3A_114 : vector<16xf32>
      %mul3A_121 = arith.mulf %get3A_119, %sub3A_120 : vector<16xf32>
      %abs3A_122 = math.absf %mul3A_121 : vector<16xf32>
      %lt3A_123 = arith.constant 0.111111112 : f32
      %lt3A_124 = vector.broadcast %lt3A_123 : f32 to vector<16xf32>
      %lt3A_125 = arith.cmpf olt, %abs3A_122, %lt3A_124 : vector<16xf32>
      %mul3A_126 = arith.mulf %mul3A_121, %mul3A_121 : vector<16xf32>
      %mul3A_127 = arith.constant 4.500000e+00 : f32
      %mul3A_128 = vector.broadcast %mul3A_127 : f32 to vector<16xf32>
      %mul3A_129 = arith.mulf %mul3A_126, %mul3A_128 : vector<16xf32>
      %sub3A_130 = arith.constant 0.055555556 : f32
      %sub3A_131 = vector.broadcast %sub3A_130 : f32 to vector<16xf32>
      %sub3A_132 = arith.subf %abs3A_122, %sub3A_131 : vector<16xf32>
      %select_n3A_133 = arith.select %lt3A_125, %mul3A_129, %sub3A_132 : vector<16xi1>, vector<16xf32>
      %add3A_134 = arith.addf %add3A_104, %select_n3A_133 : vector<16xf32>
      %add3A_135 = arith.constant 48 : i32
      %add3A_136 = arith.addi %mul3A_49, %add3A_135 : i32
      %get3A_137 = arith.index_cast %add3A_136 : i32 to index
      %get3A_138 = tpu.vector_load %arg9[%get3A_137] {strides = array<i32>} : memref<11520xf32, #tpu.memory_space<vmem>>, vector<16xf32>,
      %get3A_139 = vector.shape_cast %get3A_138 : vector<16xf32> to vector<16xf32>
      %add3A_140 = arith.constant 48 : i32
      %add3A_141 = arith.addi %mul3A_49, %add3A_140 : i32
      %get3A_142 = arith.index_cast %add3A_141 : i32 to index
      %get3A_143 = tpu.vector_load %arg10[%get3A_142] {strides = array<i32>} : memref<11520xf32, #tpu.memory_space<vmem>>, vector<16xf32>,
      %get3A_144 = vector.shape_cast %get3A_143 : vector<16xf32> to vector<16xf32>
      %add3A_145 = arith.constant 48 : i32
      %add3A_146 = arith.addi %mul3A_49, %add3A_145 : i32
      %get3A_147 = arith.index_cast %add3A_146 : i32 to index
      %get3A_148 = tpu.vector_load %arg11[%get3A_147] {strides = array<i32>} : memref<11520xf32, #tpu.memory_space<vmem>>, vector<16xf32>,
      %get3A_149 = vector.shape_cast %get3A_148 : vector<16xf32> to vector<16xf32>
      %sub3A_150 = arith.subf %get3A_139, %get3A_144 : vector<16xf32>
      %mul3A_151 = arith.mulf %get3A_149, %sub3A_150 : vector<16xf32>
      %abs3A_152 = math.absf %mul3A_151 : vector<16xf32>
      %lt3A_153 = arith.constant 0.111111112 : f32
      %lt3A_154 = vector.broadcast %lt3A_153 : f32 to vector<16xf32>
      %lt3A_155 = arith.cmpf olt, %abs3A_152, %lt3A_154 : vector<16xf32>
      %mul3A_156 = arith.mulf %mul3A_151, %mul3A_151 : vector<16xf32>
      %mul3A_157 = arith.constant 4.500000e+00 : f32
      %mul3A_158 = vector.broadcast %mul3A_157 : f32 to vector<16xf32>
      %mul3A_159 = arith.mulf %mul3A_156, %mul3A_158 : vector<16xf32>
      %sub3A_160 = arith.constant 0.055555556 : f32
      %sub3A_161 = vector.broadcast %sub3A_160 : f32 to vector<16xf32>
      %sub3A_162 = arith.subf %abs3A_152, %sub3A_161 : vector<16xf32>
      %select_n3A_163 = arith.select %lt3A_155, %mul3A_159, %sub3A_162 : vector<16xi1>, vector<16xf32>
      %add3A_164 = arith.addf %add3A_134, %select_n3A_163 : vector<16xf32>
      scf.yield %add3A_164 : vector<16xf32>
    }
    %scan3A_42 = arith.constant 180 : i32
    %swap3A = arith.constant 0 : index
    %swap3A_43 = tpu.vector_load %arg12[%swap3A] {strides = array<i32>} : memref<16xf32, #tpu.memory_space<vmem>>, vector<16xf32>,
    %swap3A_44 = vector.shape_cast %swap3A_43 : vector<16xf32> to vector<16xf32>
    %swap3A_45 = vector.shape_cast %scan3A_41 : vector<16xf32> to vector<16xf32>
    tpu.vector_store %arg12[%swap3A], %swap3A_45 {strides = array<i32>} : memref<16xf32, #tpu.memory_space<vmem>>, vector<16xf32>,
    "tpu.region"() ({
      %run_scoped3A = tpu.sem_alloc : memref<!tpu.dma_semaphore, #tpu.memory_space<semaphore_mem>>
      %dma_start3A_46 = arith.constant 0 : i32
      %dma_start3A_47 = tpu.memref_slice %arg5[%add3A, %dma_start3A_46] : memref<32x16xf32, #tpu.memory_space<hbm>> -> memref<1x16xf32, #tpu.memory_space<hbm>>
      %dma_start3A_48 = tpu.memref_squeeze %dma_start3A_47 : memref<1x16xf32, #tpu.memory_space<hbm>> -> memref<16xf32, #tpu.memory_space<hbm>>
      %dma_start3A_49 = arith.constant 0 : i32
      %dma_start3A_50 = tpu.memref_slice %arg5[%add3A, %dma_start3A_49] : memref<32x16xf32, #tpu.memory_space<hbm>> -> memref<1x16xf32, #tpu.memory_space<hbm>>
      %dma_start3A_51 = tpu.memref_squeeze %dma_start3A_50 : memref<1x16xf32, #tpu.memory_space<hbm>> -> memref<16xf32, #tpu.memory_space<hbm>>
      tpu.enqueue_dma source(%arg12 : memref<16xf32, #tpu.memory_space<vmem>>) target(%dma_start3A_51 : memref<16xf32, #tpu.memory_space<hbm>>) target_semaphore(%run_scoped3A : memref<!tpu.dma_semaphore, #tpu.memory_space<semaphore_mem>>)
      %dma_wait3A_52 = arith.constant 0 : i32
      %dma_wait3A_53 = tpu.memref_slice %arg5[%add3A, %dma_wait3A_52] : memref<32x16xf32, #tpu.memory_space<hbm>> -> memref<1x16xf32, #tpu.memory_space<hbm>>
      %dma_wait3A_54 = tpu.memref_squeeze %dma_wait3A_53 : memref<1x16xf32, #tpu.memory_space<hbm>> -> memref<16xf32, #tpu.memory_space<hbm>>
      %dma_wait3A_55 = arith.constant 0 : i32
      %dma_wait3A_56 = tpu.memref_slice %arg5[%add3A, %dma_wait3A_55] : memref<32x16xf32, #tpu.memory_space<hbm>> -> memref<1x16xf32, #tpu.memory_space<hbm>>
      %dma_wait3A_57 = tpu.memref_squeeze %dma_wait3A_56 : memref<1x16xf32, #tpu.memory_space<hbm>> -> memref<16xf32, #tpu.memory_space<hbm>>
      tpu.wait_dma2 semaphore(%run_scoped3A : memref<!tpu.dma_semaphore, #tpu.memory_space<semaphore_mem>>) src(%arg12 : memref<16xf32, #tpu.memory_space<vmem>>) dst(%dma_wait3A_57 : memref<16xf32, #tpu.memory_space<hbm>>)
      tpu.yield
    }) : () -> ()
    return
  }
}

module attributes {stable_mosaic.version = 14 : i64} {
  func.func @_tc_kernel(%arg0: i32, %arg1: memref<1x2x288x128xf32, #tpu.memory_space<vmem>>, %arg2: memref<1x288x128xf32, #tpu.memory_space<vmem>>, %arg3: memref<792x128xf32, #tpu.memory_space<vmem>>, %arg4: memref<792x128xf32, #tpu.memory_space<vmem>>, %arg5: memref<792x128xf32, #tpu.memory_space<vmem>>, %arg6: memref<1x1xf32, #tpu.memory_space<vmem>>, %arg7: memref<1x1xf32, #tpu.memory_space<vmem>>, %arg8: memref<3xf32, #tpu.memory_space<smem>>) attributes {dimension_semantics = [#tpu.dimension_semantics<arbitrary>], iteration_bounds = array<i64: 16>, scalar_prefetch = 0 : i64, scratch_operands = 1 : i64, tpu.core_type = #tpu.core_type<tc>, window_params = [{transform_indices = @transform_0, window_bounds = array<i64: 1, 2, 288, 128>}, {transform_indices = @transform_1, window_bounds = array<i64: 1, 288, 128>}, {transform_indices = @transform_2, window_bounds = array<i64: 792, 128>}, {transform_indices = @transform_3, window_bounds = array<i64: 792, 128>}, {transform_indices = @transform_4, window_bounds = array<i64: 792, 128>}, {pipeline_mode = #tpu.pipeline_mode<synchronous>, transform_indices = @transform_5, window_bounds = array<i64: 1, 1>}, {pipeline_mode = #tpu.pipeline_mode<synchronous>, transform_indices = @transform_6, window_bounds = array<i64: 1, 1>}]} {
    %eq3A = arith.constant 0 : i32
    %eq3A_0 = arith.cmpi eq, %arg0, %eq3A : i32
    %convert_element_type3A = arith.extui %eq3A_0 : i1 to i32
    %cond3A = arith.constant 0 : i32
    %cond3A_1 = arith.cmpi ne, %convert_element_type3A, %cond3A : i32
    scf.if %cond3A_1 {
      %swap3A_90 = arith.constant 0.000000e+00 : f32
      %swap3A_91 = arith.constant 0 : index
      %swap3A_92 = memref.load %arg8[%swap3A_91] : memref<3xf32, #tpu.memory_space<smem>>
      memref.store %swap3A_90, %arg8[%swap3A_91] : memref<3xf32, #tpu.memory_space<smem>>
      %swap3A_93 = arith.constant 0.000000e+00 : f32
      %swap3A_94 = arith.constant 1 : index
      %swap3A_95 = memref.load %arg8[%swap3A_94] : memref<3xf32, #tpu.memory_space<smem>>
      memref.store %swap3A_93, %arg8[%swap3A_94] : memref<3xf32, #tpu.memory_space<smem>>
      %swap3A_96 = arith.constant 0.000000e+00 : f32
      %swap3A_97 = arith.constant 2 : index
      %swap3A_98 = memref.load %arg8[%swap3A_97] : memref<3xf32, #tpu.memory_space<smem>>
      memref.store %swap3A_96, %arg8[%swap3A_97] : memref<3xf32, #tpu.memory_space<smem>>
    } else {
    }
    %get3A = arith.constant 0 : index
    %get3A_2 = arith.constant 0 : index
    %get3A_3 = arith.constant 0 : index
    %get3A_4 = arith.constant 0 : index
    %get3A_5 = vector.load %arg1[%get3A, %get3A_2, %get3A_3, %get3A_4] : memref<1x2x288x128xf32, #tpu.memory_space<vmem>>, vector<1x1x288x128xf32>
    %get3A_6 = vector.shape_cast %get3A_5 : vector<1x1x288x128xf32> to vector<288x128xf32>
    %get3A_7 = arith.constant 0 : index
    %get3A_8 = arith.constant 1 : index
    %get3A_9 = arith.constant 0 : index
    %get3A_10 = arith.constant 0 : index
    %get3A_11 = vector.load %arg1[%get3A_7, %get3A_8, %get3A_9, %get3A_10] : memref<1x2x288x128xf32, #tpu.memory_space<vmem>>, vector<1x1x288x128xf32>
    %get3A_12 = vector.shape_cast %get3A_11 : vector<1x1x288x128xf32> to vector<288x128xf32>
    %get3A_13 = arith.constant 0 : index
    %get3A_14 = arith.constant 0 : index
    %get3A_15 = arith.constant 0 : index
    %get3A_16 = vector.load %arg2[%get3A_13, %get3A_14, %get3A_15] : memref<1x288x128xf32, #tpu.memory_space<vmem>>, vector<1x288x128xf32>
    %get3A_17 = vector.shape_cast %get3A_16 : vector<1x288x128xf32> to vector<288x128xf32>
    %ne3A = arith.constant -1.000000e+00 : f32
    %ne3A_18 = vector.broadcast %ne3A : f32 to vector<288x128xf32>
    %ne3A_19 = arith.cmpf one, %get3A_17, %ne3A_18 : vector<288x128xf32>
    %convert_element_type3A_20 = arith.extui %ne3A_19 : vector<288x128xi1> to vector<288x128xi32>
    %convert_element_type3A_21 = arith.sitofp %convert_element_type3A_20 : vector<288x128xi32> to vector<288x128xf32>
    %max3A = arith.maximumf %get3A_6, %get3A_12 : vector<288x128xf32>
    %sub3A = arith.subf %get3A_6, %max3A : vector<288x128xf32>
    %exp3A = math.exp %sub3A : vector<288x128xf32>
    %sub3A_22 = arith.subf %get3A_12, %max3A : vector<288x128xf32>
    %exp3A_23 = math.exp %sub3A_22 : vector<288x128xf32>
    %add3A = arith.addf %exp3A, %exp3A_23 : vector<288x128xf32>
    %log3A = math.log %add3A : vector<288x128xf32>
    %add3A_24 = arith.addf %max3A, %log3A : vector<288x128xf32>
    %eq3A_25 = arith.constant 1.000000e+00 : f32
    %eq3A_26 = vector.broadcast %eq3A_25 : f32 to vector<288x128xf32>
    %eq3A_27 = arith.cmpf oeq, %get3A_17, %eq3A_26 : vector<288x128xf32>
    %select_n3A = arith.select %eq3A_27, %get3A_12, %get3A_6 : vector<288x128xi1>, vector<288x128xf32>
    %get3A_28 = arith.constant 0 : index
    %get3A_29 = memref.load %arg8[%get3A_28] : memref<3xf32, #tpu.memory_space<smem>>
    %sub3A_30 = arith.subf %add3A_24, %select_n3A : vector<288x128xf32>
    %mul3A = arith.mulf %sub3A_30, %convert_element_type3A_21 : vector<288x128xf32>
    %reduce_sum3A = vector.shape_cast %mul3A : vector<288x128xf32> to vector<1x288x128xf32>
    %reduce_sum3A_31 = arith.constant dense<0.000000e+00> : vector<1xf32>
    %reduce_sum3A_32 = vector.multi_reduction <add>, %reduce_sum3A, %reduce_sum3A_31 [1, 2] : vector<1x288x128xf32> to vector<1xf32>
    %reduce_sum3A_33 = vector.shape_cast %reduce_sum3A_32 : vector<1xf32> to vector<1x1x1xf32>
    %reduce_sum3A_34 = vector.extract %reduce_sum3A_33[0, 0, 0] : f32 from vector<1x1x1xf32>
    %add3A_35 = arith.addf %get3A_29, %reduce_sum3A_34 : f32
    %swap3A = arith.constant 0 : index
    %swap3A_36 = memref.load %arg8[%swap3A] : memref<3xf32, #tpu.memory_space<smem>>
    memref.store %add3A_35, %arg8[%swap3A] : memref<3xf32, #tpu.memory_space<smem>>
    %get3A_37 = arith.constant 1 : index
    %get3A_38 = memref.load %arg8[%get3A_37] : memref<3xf32, #tpu.memory_space<smem>>
    %reduce_sum3A_39 = vector.shape_cast %convert_element_type3A_21 : vector<288x128xf32> to vector<1x288x128xf32>
    %reduce_sum3A_40 = arith.constant dense<0.000000e+00> : vector<1xf32>
    %reduce_sum3A_41 = vector.multi_reduction <add>, %reduce_sum3A_39, %reduce_sum3A_40 [1, 2] : vector<1x288x128xf32> to vector<1xf32>
    %reduce_sum3A_42 = vector.shape_cast %reduce_sum3A_41 : vector<1xf32> to vector<1x1x1xf32>
    %reduce_sum3A_43 = vector.extract %reduce_sum3A_42[0, 0, 0] : f32 from vector<1x1x1xf32>
    %add3A_44 = arith.addf %get3A_38, %reduce_sum3A_43 : f32
    %swap3A_45 = arith.constant 1 : index
    %swap3A_46 = memref.load %arg8[%swap3A_45] : memref<3xf32, #tpu.memory_space<smem>>
    memref.store %add3A_44, %arg8[%swap3A_45] : memref<3xf32, #tpu.memory_space<smem>>
    %get3A_47 = arith.constant 0 : index
    %get3A_48 = arith.constant 0 : index
    %get3A_49 = vector.load %arg5[%get3A_47, %get3A_48] : memref<792x128xf32, #tpu.memory_space<vmem>>, vector<792x128xf32>
    %get3A_50 = arith.constant 0 : index
    %get3A_51 = arith.constant 0 : index
    %get3A_52 = vector.load %arg3[%get3A_50, %get3A_51] : memref<792x128xf32, #tpu.memory_space<vmem>>, vector<792x128xf32>
    %get3A_53 = arith.constant 0 : index
    %get3A_54 = arith.constant 0 : index
    %get3A_55 = vector.load %arg4[%get3A_53, %get3A_54] : memref<792x128xf32, #tpu.memory_space<vmem>>, vector<792x128xf32>
    %sub3A_56 = arith.subf %get3A_52, %get3A_55 : vector<792x128xf32>
    %mul3A_57 = arith.mulf %get3A_49, %sub3A_56 : vector<792x128xf32>
    %abs3A = math.absf %mul3A_57 : vector<792x128xf32>
    %lt3A = arith.constant 0.111111112 : f32
    %lt3A_58 = vector.broadcast %lt3A : f32 to vector<792x128xf32>
    %lt3A_59 = arith.cmpf olt, %abs3A, %lt3A_58 : vector<792x128xf32>
    %convert_element_type3A_60 = arith.extui %lt3A_59 : vector<792x128xi1> to vector<792x128xi32>
    %convert_element_type3A_61 = arith.sitofp %convert_element_type3A_60 : vector<792x128xi32> to vector<792x128xf32>
    %mul3A_62 = arith.mulf %mul3A_57, %mul3A_57 : vector<792x128xf32>
    %mul3A_63 = arith.constant 4.500000e+00 : f32
    %mul3A_64 = vector.broadcast %mul3A_63 : f32 to vector<792x128xf32>
    %mul3A_65 = arith.mulf %mul3A_62, %mul3A_64 : vector<792x128xf32>
    %mul3A_66 = arith.mulf %mul3A_65, %convert_element_type3A_61 : vector<792x128xf32>
    %sub3A_67 = arith.constant 0.055555556 : f32
    %sub3A_68 = vector.broadcast %sub3A_67 : f32 to vector<792x128xf32>
    %sub3A_69 = arith.subf %abs3A, %sub3A_68 : vector<792x128xf32>
    %sub3A_70 = arith.constant 1.000000e+00 : f32
    %sub3A_71 = vector.broadcast %sub3A_70 : f32 to vector<792x128xf32>
    %sub3A_72 = arith.subf %sub3A_71, %convert_element_type3A_61 : vector<792x128xf32>
    %mul3A_73 = arith.mulf %sub3A_69, %sub3A_72 : vector<792x128xf32>
    %add3A_74 = arith.addf %mul3A_66, %mul3A_73 : vector<792x128xf32>
    %get3A_75 = arith.constant 2 : index
    %get3A_76 = memref.load %arg8[%get3A_75] : memref<3xf32, #tpu.memory_space<smem>>
    %reduce_sum3A_77 = vector.shape_cast %add3A_74 : vector<792x128xf32> to vector<1x792x128xf32>
    %reduce_sum3A_78 = arith.constant dense<0.000000e+00> : vector<1xf32>
    %reduce_sum3A_79 = vector.multi_reduction <add>, %reduce_sum3A_77, %reduce_sum3A_78 [1, 2] : vector<1x792x128xf32> to vector<1xf32>
    %reduce_sum3A_80 = vector.shape_cast %reduce_sum3A_79 : vector<1xf32> to vector<1x1x1xf32>
    %reduce_sum3A_81 = vector.extract %reduce_sum3A_80[0, 0, 0] : f32 from vector<1x1x1xf32>
    %add3A_82 = arith.addf %get3A_76, %reduce_sum3A_81 : f32
    %swap3A_83 = arith.constant 2 : index
    %swap3A_84 = memref.load %arg8[%swap3A_83] : memref<3xf32, #tpu.memory_space<smem>>
    memref.store %add3A_82, %arg8[%swap3A_83] : memref<3xf32, #tpu.memory_space<smem>>
    %eq3A_85 = arith.constant 15 : i32
    %eq3A_86 = arith.cmpi eq, %arg0, %eq3A_85 : i32
    %convert_element_type3A_87 = arith.extui %eq3A_86 : i1 to i32
    %cond3A_88 = arith.constant 0 : i32
    %cond3A_89 = arith.cmpi ne, %convert_element_type3A_87, %cond3A_88 : i32
    scf.if %cond3A_89 {
      %get3A_90 = arith.constant 0 : index
      %get3A_91 = memref.load %arg8[%get3A_90] : memref<3xf32, #tpu.memory_space<smem>>
      %get3A_92 = arith.constant 1 : index
      %get3A_93 = memref.load %arg8[%get3A_92] : memref<3xf32, #tpu.memory_space<smem>>
      %div3A = arith.divf %get3A_91, %get3A_93 : f32
      %broadcast_in_dim3A = vector.broadcast %div3A : f32 to vector<1x1xf32>
      %swap3A_94 = arith.constant 0 : index
      %swap3A_95 = arith.constant 0 : index
      %swap3A_96 = vector.load %arg6[%swap3A_94, %swap3A_95] : memref<1x1xf32, #tpu.memory_space<vmem>>, vector<1x1xf32>
      tpu.vector_store %arg6[%swap3A_94, %swap3A_95], %broadcast_in_dim3A {strides = array<i32>} : memref<1x1xf32, #tpu.memory_space<vmem>>, vector<1x1xf32>,
      %get3A_97 = arith.constant 2 : index
      %get3A_98 = memref.load %arg8[%get3A_97] : memref<3xf32, #tpu.memory_space<smem>>
      %broadcast_in_dim3A_99 = vector.broadcast %get3A_98 : f32 to vector<1x1xf32>
      %swap3A_100 = arith.constant 0 : index
      %swap3A_101 = arith.constant 0 : index
      %swap3A_102 = vector.load %arg7[%swap3A_100, %swap3A_101] : memref<1x1xf32, #tpu.memory_space<vmem>>, vector<1x1xf32>
      tpu.vector_store %arg7[%swap3A_100, %swap3A_101], %broadcast_in_dim3A_99 {strides = array<i32>} : memref<1x1xf32, #tpu.memory_space<vmem>>, vector<1x1xf32>,
    } else {
    }
    return
  }
  func.func @transform_0(%arg0: i32) -> (i32, i32, i32, i32) {
    %c0_i32 = arith.constant 0 : i32
    %c0_i32_0 = arith.constant 0 : i32
    %c0_i32_1 = arith.constant 0 : i32
    %c0_i32_2 = arith.constant 0 : i32
    return %arg0, %c0_i32, %c0_i32_0, %c0_i32_1 : i32, i32, i32, i32
  }
  func.func @transform_1(%arg0: i32) -> (i32, i32, i32) {
    %c0_i32 = arith.constant 0 : i32
    %c0_i32_0 = arith.constant 0 : i32
    %c0_i32_1 = arith.constant 0 : i32
    return %arg0, %c0_i32, %c0_i32_0 : i32, i32, i32
  }
  func.func @transform_2(%arg0: i32) -> (i32, i32) {
    %c0_i32 = arith.constant 0 : i32
    %c0_i32_0 = arith.constant 0 : i32
    return %arg0, %c0_i32 : i32, i32
  }
  func.func @transform_3(%arg0: i32) -> (i32, i32) {
    %c0_i32 = arith.constant 0 : i32
    %c0_i32_0 = arith.constant 0 : i32
    return %arg0, %c0_i32 : i32, i32
  }
  func.func @transform_4(%arg0: i32) -> (i32, i32) {
    %c0_i32 = arith.constant 0 : i32
    %c0_i32_0 = arith.constant 0 : i32
    return %arg0, %c0_i32 : i32, i32
  }
  func.func @transform_5(%arg0: i32) -> (i32, i32) {
    %c0_i32 = arith.constant 0 : i32
    %c0_i32_0 = arith.constant 0 : i32
    %c0_i32_1 = arith.constant 0 : i32
    return %c0_i32, %c0_i32_0 : i32, i32
  }
  func.func @transform_6(%arg0: i32) -> (i32, i32) {
    %c0_i32 = arith.constant 0 : i32
    %c0_i32_0 = arith.constant 0 : i32
    %c0_i32_1 = arith.constant 0 : i32
    return %c0_i32, %c0_i32_0 : i32, i32
  }
}

</mosaic_0001>

<sc_bundles>
// kernel: _run.4.cloned.1.call-start
scs
__scs_entry_jumppad:
0x0: {  	(pc) =	sbr.rel $0x88, $3  }
0x1: {  	(tag) =	ssettag $0x0;
	lr =	simm.s32 $0x1  }
0x2: {  	[smem:$0x3F99] =	sst lr;
	_ =	strace $0xD0000000  }
0x3: {  	_ = 	snop  }
0x4: {  	_ = 	snop  }
0x5: {  	_ = 	snop  }
0x6: {  	_ = 	snop  }
0x7: {  	_ = 	snop  }
__scs_overlays_trampoline_lowered:
0x8: {  	[smem:$0x3FA8] =	sst s0  }
0x9: {  	[smem:$0x3FA9] =	sst s1  }
0xa: {  	[smem:$0x3FAA] =	sst s2  }
0xb: {  	[smem:$0x3FAB] =	sst s3  }
0xc: {  	[smem:$0x3FAC] =	sst s4  }
0xd: {  	[smem:$0x3FAD] =	sst s5  }
0xe: {  	[smem:$0x3FAE] =	sst s6  }
0xf: {  	[smem:$0x3FAF] =	sst s7  }
0x10: {  	[smem:$0x3FB0] =	sst s8  }
0x11: {  	[smem:$0x3FB1] =	sst s9;
	s0 =	simm.s32 @!p0 $0x0  }
0x12: {  	s1 =	sld [smem:$0x3F97];
	s0 =	simm.s32 @p0 $0x1  }
0x13: {  	[smem:$0x3FB2] =	sst s0;
	s0 =	simm.s32 @!p1 $0x0  }
0x14: {  	s2 =	sld [smem:$0x3F96];
	s0 =	simm.s32 @p1 $0x1  }
0x15: {  	[smem:$0x3FB3] =	sst s0;
	s0 =	simm.s32 @!p2 $0x0  }
0x16: {  	s3 =	sld [smem:$0x3FDB];
	s0 =	simm.s32 @p2 $0x1  }
0x17: {  	s4 =	simm.s32 $0x1BF5;
	[smem:$0x3FB5] =	sst s0  }
0x18: {  	s0 =	sld [smem:$0x3F98];
	_ =	swait.ge [sflag:s4], $0x0  }
0x19: {  	s7 =	sld [smem:$0x3F99]  }
0x1a: {  	s8 =	sadd.s32 $0xFFFFE003, lr  }
0x1b: {  	s9 =	sadd.s32 $0xFFFFFEF7, lr;
	s5 =	simm.s32 $0xFFFFFFFF;
	p2 =	slt.u32 s8, $0xFFFFF086  }
0x1c: {  	p1 =	slt.u32 s9, $0xF7A;
	s5 =	simm.s32 @!p2 $0x0  }
0x1d: {  	s5 =	simm.s32 @p1 $0x1;
	p0 =	seq.s32 s7, s2  }
0x1e: {  	s7 =	smul.u32 @!p0 $0xF7A, s2;
	p2 =	seq.s32 @!p0 s5, $0x0  }
0x1f: {  	s9 =	smul.u32 $0xF7A, s1;
	s8 =	simm.s32 @!p0 $0x1BF5;
	p2 =	por !p2, p0  }
0x20: {  	[sflag:s8] =	ssyncset.s32 @!p0 $0xFFFFF086;
	s6 =	sadd.s32 @!p0 s3, s7;
	s7 =	simm.s32 @!p0 $0x108  }
0x21: {  	s3 =	sadd.s32 s3, s9;
	s6 =	sadd.s32 @!p0 $0x88, s6;
	s7 =	simm.s32 @p2 $0x1082  }
0x22: {  	[simem:s7], [sflag:s8] =	dma.local @!p0 [hbm:s6], $0xF7A  }
0x23: {  	s9 =	sor.u32 $0xD0000000, s2;
	s6 =	simm.s32 $0x108;
	_ =	swait.ge @!p0 [sflag:s8], $0x0  }
0x24: {  	s3 =	sadd.s32 $0x88, s3;
	s6 =	simm.s32 @!p1 $0x1082;
	[sflag:s4] =	ssyncset.s32 $0xFFFFF086  }
0x25: {  	[simem:s6], [sflag:s4] =	dma.local [hbm:s3], $0xF7A  }
0x26: {  	[smem:$0x3F99] =	sst s1;
	(tag) =	ssettag s2;
	_ =	strace s9  }
0x27: {  	s1 =	sld [smem:$0x3FA9]  }
0x28: {  	s2 =	sld [smem:$0x3FAA]  }
0x29: {  	s4 =	sld [smem:$0x3FAC]  }
0x2a: {  	p0 =	seq.s32 s5, $0x0;
	s5 =	sld [smem:$0x3FAD]  }
0x2b: {  	s6 =	sld [smem:$0x3FAE]  }
0x2c: {  	s7 =	sld [smem:$0x3FAF]  }
0x2d: {  	s3 =	simm.s32 $0x108;
	s8 =	sld [smem:$0x3FB0]  }
0x2e: {  	s3 =	simm.s32 @!p0 $0x1082;
	s9 =	sld [smem:$0x3FB1]  }
0x2f: {  	lr =	sadd.s32 s0, s3;
	s0 =	sld [smem:$0x3FA8]  }
0x30: {  	s3 =	sld [smem:$0x3FAB]  }
0x31: {  	[smem:$0x3FB4] =	sst s10  }
0x32: {  	s10 =	sld [smem:$0x3FB2];
	_ =	sdelay $0x3  }
0x33: {  	p0 =	seq.s32 s10, $0x1;
	s10 =	sld [smem:$0x3FB4];
	_ =	sdelay $0x3  }
0x34: {  	[smem:$0x3FB4] =	sst s10  }
0x35: {  	s10 =	sld [smem:$0x3FB3];
	_ =	sdelay $0x3  }
0x36: {  	p1 =	seq.s32 s10, $0x1;
	s10 =	sld [smem:$0x3FB4];
	_ =	sdelay $0x3  }
0x37: {  	[smem:$0x3FB4] =	sst s10  }
0x38: {  	s10 =	sld [smem:$0x3FB5]  }
0x39: {  	_ = 	snop;
	(pc) =	sbr.ind lr, $3  }
0x3a: {  	_ = 	snop  }
0x3b: {  	_ = 	snop  }
0x3c: {  	p2 =	seq.s32 s10, $0x1;
	s10 =	sld [smem:$0x3FB4]  }
0x3d: {  	_ =	shalt  }
0x3e: {  	_ =	shalt  }
0x3f: {  	_ =	shalt  }
0x40: {  	_ =	shalt  }
0x41: {  	_ =	shalt  }
0x42: {  	_ =	shalt  }
0x43: {  	_ =	shalt  }
0x44: {  	_ =	shalt  }
0x45: {  	_ =	shalt  }
0x46: {  	_ =	shalt  }
0x47: {  	_ =	shalt  }
0x48: {  	_ =	shalt  }
0x49: {  	_ =	shalt  }
0x4a: {  	_ =	shalt  }
0x4b: {  	_ =	shalt  }
0x4c: {  	_ =	shalt  }
0x4d: {  	_ =	shalt  }
0x4e: {  	_ =	shalt  }
0x4f: {  	_ =	shalt  }
0x50: {  	_ =	shalt  }
0x51: {  	_ =	shalt  }
0x52: {  	_ =	shalt  }
0x53: {  	_ =	shalt  }
0x54: {  	_ =	shalt  }
0x55: {  	_ =	shalt  }
0x56: {  	_ =	shalt  }
0x57: {  	_ =	shalt  }
0x58: {  	_ =	shalt  }
0x59: {  	_ =	shalt  }
0x5a: {  	_ =	shalt  }
0x5b: {  	_ =	shalt  }
0x5c: {  	_ =	shalt  }
0x5d: {  	_ =	shalt  }
0x5e: {  	_ =	shalt  }
0x5f: {  	_ =	shalt  }
0x60: {  	_ =	shalt  }
0x61: {  	_ =	shalt  }
0x62: {  	_ =	shalt  }
0x63: {  	_ =	shalt  }
0x64: {  	_ =	shalt  }
0x65: {  	_ =	shalt  }
0x66: {  	_ =	shalt  }
0x67: {  	_ =	shalt  }
0x68: {  	_ =	shalt  }
0x69: {  	_ =	shalt  }
0x6a: {  	_ =	shalt  }
0x6b: {  	_ =	shalt  }
0x6c: {  	_ =	shalt  }
0x6d: {  	_ =	shalt  }
0x6e: {  	_ =	shalt  }
0x6f: {  	_ =	shalt  }
0x70: {  	_ =	shalt  }
0x71: {  	_ =	shalt  }
0x72: {  	_ =	shalt  }
0x73: {  	_ =	shalt  }
0x74: {  	_ =	shalt  }
0x75: {  	_ =	shalt  }
0x76: {  	_ =	shalt  }
0x77: {  	_ =	shalt  }
0x78: {  	_ =	shalt  }
0x79: {  	_ =	shalt  }
0x7a: {  	_ =	shalt  }
0x7b: {  	_ =	shalt  }
0x7c: {  	_ =	shalt  }
0x7d: {  	_ =	shalt  }
0x7e: {  	_ =	shalt  }
0x7f: {  	_ =	shalt  }
0x80: {  	_ =	shalt  }
0x81: {  	_ =	shalt  }
0x82: {  	_ =	shalt  }
0x83: {  	_ =	shalt  }
0x84: {  	_ =	shalt  }
0x85: {  	_ =	shalt  }
0x86: {  	_ =	shalt  }
0x87: {  	_ =	shalt  }
.Lfunc_end0:
.L_simem_size_0:
called_computation_lowered:
.L_overlay_start_0:
0x88: {  	s2 =	sld [smem:$0x3FD9]  }
0x89: {  	s3 =	sld [smem:$0x3FFE];
	_ =	sdelay $0x1  }
0x8a: {  	s1 =	srdreg.scid  }
0x8b: {  	s0 =	sand.u32 $0x1, s1  }
0x8c: {  	s17 =	sshll.u32 s0, $0xA;
	s2 =	sadd.s32 s3, s2  }
0x8d: {  	s2 =	sadd.s32 s2, s17  }
0x8e: {  	[smem:$0x3FC0] =	sst s2  }
0x8f: {  	_ = 	snop  }
0x90: {  	s2 =	sld [smem:$0x3FC4]  }
0x91: {  	s18 =	sld [smem:$0x3FC3]  }
0x92: {  	s4 =	sld [smem:$0x3FC2];
	(tm) =	ssettm $0x1  }
0x93: {  	s5 =	sld [smem:$0x3FFB];
	_ =	sdelay $0x3  }
0x94: {  	_ =	strace s5  }
0x95: {  	s5 =	sld [smem:$0x3FFC];
	_ =	sdelay $0x3  }
0x96: {  	_ =	strace s5  }
0x97: {  	s5 =	sld [smem:$0x3FFD];
	_ =	sdelay $0x3  }
0x98: {  	_ =	strace s5  }
0x99: {  	_ =	strace $0x8FFFFFFF  }
0x9a: {  	s19 =	sld [smem:$0x3FDB];
	_ =	sdelay $0x1  }
0x9b: {  	s6 =	simm.s32 $_scs_section_size  }
0x9c: {  	s7 =	simm.s32 $_size__tile_overlayer_lowered;
	s8 =	simm.s32 $_tile_overlayer_lowered  }
0x9d: {  	s22 =	simm.s32 $0x1BFF;
	s21 =	sshll.u32 s8, $0x1;
	s5 =	sadd.s32 s6, s19  }
0x9e: {  	s9 =	simm.s32 $0x0;
	s20 =	sshll.u32 s7, $0x1;
	s7 =	sadd.s32 s21, s5  }
0x9f: {  	[timem:s9], [sflag:s22] =	dma.local [hbm:s7], s20  }
0xa0: {  	_ =	swait.ge [sflag:s22], s20  }
0xa1: {  	s6 =	ssub.s32 $0x0, s20;
	[sflag:s22] =	ssyncset.done $0x0  }
0xa2: {  	[sflag:s22] =	ssyncadd.s32 s6;
	_ =	sdelay $0x1  }
0xa3: {  	s23 =	simm.s32 $0x1B8B  }
0xa4: {  	_ =	swait.ge [sflag:s23], $0x1  }
0xa5: {  	[sflag:s23] =	ssyncset.done $0x0  }
0xa6: {  	s25 =	simm.s32 $0x1B8E;
	s24 =	sld [smem:$0x3FFE];
	[sflag:s23] =	ssyncadd.s32 $0xFFFFFFFF  }
0xa7: {  	s26 =	simm.s32 $execute0_lowered;
	[smem:$0x3FD2] =	sst s25  }
0xa8: {  	s7 =	sshll.u32 s26, $0x1;
	_ =	strace $0x80000046;
	[dreg:$0x1] =	wrdreg $0xFFFFFFFF  }
0xa9: {  	s28 =	simm.s32 $_size_execute0_lowered;
	s5 =	sadd.s32 s5, s7;
	[dreg:$0x0] =	wrdreg $0x0  }
0xaa: {  	s7 =	sshll.u32 s28, $0x1;
	[dreg:$0x2] =	wrdreg s5  }
0xab: {  	[dreg:$0x3] =	wrdreg s7  }
0xac: {  	[dreg:$0x4] =	wrdreg $0xC0  }
0xad: {  	_ =	task [dreg:s9], $0x5FFFF  }
0xae: {  	[dreg:$0x1] =	wrdreg $0xFFFFFFFF  }
0xaf: {  	[dreg:$0x0] =	wrdreg $0x60  }
0xb0: {  	[dreg:$0x2] =	wrdreg s2  }
0xb1: {  	[dreg:$0x3] =	wrdreg s18  }
0xb2: {  	[dreg:$0x4] =	wrdreg s4  }
0xb3: {  	[dreg:$0x5] =	wrdreg s24  }
0xb4: {  	[dreg:$0x6] =	wrdreg $0x9  }
0xb5: {  	_ =	task.clear_ibuf [dreg:s9], $0x7FFFF;
	_ =	strace $0x90000046  }
0xb6: {  	s29 =	simm.s32 $0x9;
	_ =	strace $0x80000048  }
0xb7: {  	_ =	swait.ge [sflag:s29], $0x1  }
0xb8: {  	[sflag:s29] =	ssyncadd.s32 $0xFFFFFFFF  }
0xb9: {  	_ =	strace $0x90000048  }
0xba: {  	_ =	sfence  }
0xbb: {  	s30 =	sld [smem:$0x0];
	_ =	sdelay $0x2  }
0xbc: {  	s31 =	sshll.u32 s1, $0xD;
	s1 =	sshrl.u32 s1, $0x2  }
0xbd: {  	s3 =	sand.u32 $0x4000, s31;
	s1 =	sadd.s32 s1, s30  }
0xbe: {  	s0 =	sor.u32 s3, s0;
	s1 =	sshll.u32 s1, $0x11  }
0xbf: {  	s0 =	sor.u32 s1, s0  }
0xc0: {  	s0 =	sadd.s32 $0x8F2B, s0  }
0xc1: {  	[sflag:s0] =	ssyncadd.remote.s32 $0x1  }
0xc2: {  	_ =	sfence.sel $0xFFFF  }
0xc3: {  	[dreg:$0x0] =	wrdreg $0xFFFFFFFF;
	(pc) =	sbr.abs _section_cstart, $3  }
0xc4: {  	[dreg:$0x1] =	wrdreg $0xFFFFFFFF  }
0xc5: {  	_ =	task.clear_ibuf [dreg:s9], $0x2FFFF;
	_ =	strace $0x9FFFFFFF  }
0xc6: {  	(tm) =	ssettm $0x7FFFFFFF  }
0xc7: {  	_ =	shalt  }
tec
execute0_lowered:
.L_overlay_start_1:
0x0: {  	(tag) =	ssettag $0x1  }
0x1: {  	s6 =	rddreg [dreg:$0x0]  }
0x2: {  	s7 =	rddreg [dreg:$0x1]  }
0x3: {  	s1 =	srdreg.scid;
	s8 =	rddreg [dreg:$0x2]  }
0x4: {  	s0 =	stileid.u32;
	s4 =	rddreg [dreg:$0x3];
	s2 =	simm.s32 $0x0  }
0x5: {  	s13 =	simm.s32 $0x8700;
	s14 =	simm.s32 $0xB400;
	s15 =	simm.s32 $0xE100  }
0x6: {  	s16 =	simm.s32 $0x1;
	s17 =	simm.s32 $0x2;
	s18 =	simm.s32 $0x10E00  }
0x7: {  	s19 =	simm.s32 $0x3;
	s3 =	sand.u32 $0x1, s1;
	s31 =	sshll.u32 s0, $0x1  }
0x8: {  	s20 =	simm.s32 $0x0;
	s1 =	rddreg [dreg:$0x4];
	s5 =	sor.u32 s3, s31  }
0x9: {  	[smem:$0x7FF] =	sst s2;
	s3 =	ssub.s32 $0x2, s3;
	s9 =	smul.u32 $0x5A00, s5  }
0xa: {  	_ =	strace $0x80000047;
	s5 =	sshll.u32 s5, $0x4;
	s10 =	sshrl.u32 s3, $0x1  }
0xb: {  	s12 =	sadd.s32 s5, s4;
	s10 =	ssub.s32 s3, s10;
	s9 =	sshrl.u32 s9, $0x3  }
0xc: {  	s10 =	smax.u32 s10, $0x1;
	s11 =	sadd.s32 $0x31800, s9;
	s9 =	sadd.s32 $0x31DA0, s9  }
0xd: {  	s3 =	sadd.s32 s6, s11;
	s4 =	sadd.s32 s7, s11;
	s5 =	sadd.s32 s8, s11  }
0xe: {  	s6 =	sadd.s32 s6, s9;
	s7 =	sadd.s32 s7, s9;
	s8 =	sadd.s32 s8, s9  }
0xf: {  	s9 =	sadd.s32 $0x800, s12;
	s11 =	simm.s32 $0x2D00;
	s12 =	simm.s32 $0x5A00  }
.LBB2_1:
0x10: {  	[tilespmem:s2], [sflag:$0x1] =	stream.linear.gather [hbm4b:s3+s2], $0x2D00, $0x38;
	[tilespmem:$0x10E80] =	vst v63  }
0x11: {  	_ = 	snop  }
0x12: {  	[tilespmem:s11], [sflag:$0x1] =	stream.linear.gather [hbm4b:s4+s2], $0x2D00, $0x38;
	[tilespmem:$0x10E80] =	vst v63  }
0x13: {  	_ = 	snop  }
0x14: {  	[tilespmem:s12], [sflag:$0x1] =	stream.linear.gather [hbm4b:s5+s2], $0x2D00, $0x38;
	[tilespmem:$0x10E80] =	vst v63  }
0x15: {  	_ = 	snop  }
0x16: {  	[tilespmem:s13], [sflag:$0x2] =	stream.linear.gather [hbm4b:s6+s2], $0x2D00, $0x38;
	[tilespmem:$0x10E80] =	vst v63  }
0x17: {  	_ = 	snop  }
0x18: {  	[tilespmem:s14], [sflag:$0x2] =	stream.linear.gather [hbm4b:s7+s2], $0x2D00, $0x38;
	[tilespmem:$0x10E80] =	vst v63  }
0x19: {  	_ = 	snop  }
0x1a: {  	[tilespmem:s15], [sflag:$0x2] =	stream.linear.gather [hbm4b:s8+s2], $0x2D00, $0x38;
	[tilespmem:$0x10E80] =	vst v63  }
0x1b: {  	_ =	swait.ge [sflag:s16], $0x2D00  }
0x1c: {  	[sflag:s16] =	ssyncset.done $0x0  }
0x1d: {  	[sflag:s16] =	ssyncadd.s32 $0xFFFFD300  }
0x1e: {  	_ =	swait.ge [sflag:s16], $0x2D00  }
0x1f: {  	[sflag:s16] =	ssyncset.done $0x0  }
0x20: {  	[sflag:s16] =	ssyncadd.s32 $0xFFFFD300  }
0x21: {  	_ =	swait.ge [sflag:s16], $0x2D00  }
0x22: {  	[sflag:s16] =	ssyncset.done $0x0  }
0x23: {  	s22 =	simm.s32 $0x0;
	[sflag:s16] =	ssyncadd.s32 $0xFFFFD300  }
0x24: {  	v0 =	vld [tilespmem:s22+$0x0]  }
0x25: {  	v1 =	vld [tilespmem:s22+$0x2D00]  }
0x26: {  	v4 =	vld [tilespmem:s22+$0x5A30]  }
0x27: {  	v2 =	vld [tilespmem:s22+$0x30]  }
0x28: {  	v3 =	vld [tilespmem:s22+$0x2D30]  }
0x29: {  	v6 =	vld [tilespmem:s22+$0x5A10]  }
0x2a: {  	v5 =	vld [tilespmem:s22+$0x20]  }
0x2b: {  	v7 =	vld [tilespmem:s22+$0x2D20]  }
0x2c: {  	v8 =	vld [tilespmem:s22+$0x5A00]  }
0x2d: {  	v9 =	vld [tilespmem:s22+$0x10]  }
0x2e: {  	s21 =	simm.s32 $0x40;
	v10 =	vld [tilespmem:s22+$0x2D10]  }
0x2f: {  	v11 =	vld [tilespmem:s21+$0x0]  }
0x30: {  	v12 =	vld [tilespmem:s21+$0x2D00]  }
0x31: {  	v13 =	vld [tilespmem:s22+$0x5A20];
	v0 =	vsub.f32 v0, v1  }
0x32: {  	v1 =	vld [tilespmem:s21+$0x5A30];
	v14 =	vsub.f32 v2, v3  }
0x33: {  	v2 =	vld [tilespmem:s21+$0x30];
	v10 =	vsub.f32 v9, v10;
	v8 =	vmul.f32 v0, v8  }
0x34: {  	v9 =	vimm.f32 $0.0e+00;
	v3 =	vld [tilespmem:s21+$0x2D30];
	v15 =	vsub.f32 v5, v7;
	v7 =	vmul.f32 v14, v4  }
0x35: {  	v5 =	vsub.f32 v11, v12;
	v0 =	vld [tilespmem:s21+$0x5A10];
	v11 =	vmul.f32 v10, v6;
	v14 =	vmul.f32 v8, v8  }
0x36: {  	v4 =	vld [tilespmem:s21+$0x20];
	v10 =	vmul.f32 v15, v13;
	v12 =	vand.u32 $0x7FFFFFFF, v8;
	v8 =	vmul.f32 v7, v7  }
0x37: {  	s22 =	simm.s32 $0x200;
	v6 =	vld [tilespmem:s21+$0x2D20];
	v15 =	vadd.f32 $-5.555555600e-02, v12;
	v13 =	vmul.f32 $4.500000000e+00, v14;
	v14 =	vmul.f32 v11, v11  }
.LBB2_2:
0x38: {  	p0 =	sne.s32 s22, $0xB300;
	v16 =	vld [tilespmem:s21+$0x5A00];
	vm0 =	vlt.f32 v12, $1.111111120e-01;
	v11 =	vand.u32 $0x7FFFFFFF, v11;
	v12 =	vmul.f32 v10, v10  }
0x39: {  	v17 =	vld [tilespmem:s21+$0x10];
	v13 =	vsel vm0, v13, v15;
	v14 =	vmul.f32 $4.500000000e+00, v14;
	v15 =	vadd.f32 $-5.555555600e-02, v11  }
0x3a: {  	s23 =	sshra.s32 s22, $0x2;
	v10 =	vand.u32 $0x7FFFFFFF, v10;
	vm0 =	vlt.f32 v11, $1.111111120e-01;
	v18 =	vld [tilespmem:s21+$0x2D10];
	v9 =	vadd.f32 v13, v9  }
0x3b: {  	v12 =	vmul.f32 $4.500000000e+00, v12;
	v11 =	vld [tilespmem:s23+$0x0];
	v13 =	vsel vm0, v14, v15;
	v14 =	vadd.f32 $-5.555555600e-02, v10  }
0x3c: {  	v7 =	vand.u32 $0x7FFFFFFF, v7;
	vm0 =	vlt.f32 v10, $1.111111120e-01;
	v15 =	vld [tilespmem:s23+$0x2D00];
	v9 =	vadd.f32 v13, v9  }
0x3d: {  	v8 =	vmul.f32 $4.500000000e+00, v8;
	v13 =	vadd.f32 $-5.555555600e-02, v7;
	v10 =	vld [tilespmem:s21+$0x5A20];
	v12 =	vsel vm0, v12, v14;
	s21 =	smov.u32 s23  }
0x3e: {  	v14 =	vsub.f32 v2, v3;
	vm0 =	vlt.f32 v7, $1.111111120e-01;
	v19 =	vld [tilespmem:s21+$0x5A30];
	v9 =	vadd.f32 v12, v9  }
.Ltmp0:
0x3f: {  	v12 =	vmul.f32 v5, v16;
	v5 =	vsel vm0, v8, v13;
	v2 =	vld [tilespmem:s21+$0x30];
	v16 =	vsub.f32 v17, v18;
	(pc) =	sbr.rel @p0 .LBB2_2-.Ltmp0, $4  }
0x40: {  	v6 =	vsub.f32 v4, v6;
	v7 =	vmul.f32 v14, v1;
	v3 =	vld [tilespmem:s21+$0x2D30];
	v9 =	vadd.f32 v5, v9  }
0x41: {  	v17 =	vmul.f32 v12, v12;
	v5 =	vsub.f32 v11, v15;
	v11 =	vmul.f32 v16, v0;
	v0 =	vld [tilespmem:s21+$0x5A10]  }
0x42: {  	v12 =	vand.u32 $0x7FFFFFFF, v12;
	v8 =	vmul.f32 v7, v7;
	v4 =	vld [tilespmem:s21+$0x20];
	v10 =	vmul.f32 v6, v10  }
0x43: {  	s22 =	sadd.s32 $0x100, s22;
	v15 =	vadd.f32 $-5.555555600e-02, v12;
	v13 =	vmul.f32 $4.500000000e+00, v17;
	v6 =	vld [tilespmem:s21+$0x2D20];
	v14 =	vmul.f32 v11, v11;
	v1 =	vmovc v19  }
0x44: {  	v16 =	vld [tilespmem:s21+$0x5A00]  }
0x45: {  	v17 =	vld [tilespmem:s21+$0x10]  }
0x46: {  	v18 =	vld [tilespmem:s21+$0x2D10]  }
0x47: {  	v19 =	vld [tilespmem:s21+$0x5A20];
	_ =	swait.ge [sflag:s17], $0x2D00  }
0x48: {  	[sflag:s17] =	ssyncset.done $0x0  }
0x49: {  	[sflag:s17] =	ssyncadd.s32 $0xFFFFD300  }
0x4a: {  	_ =	swait.ge [sflag:s17], $0x2D00  }
0x4b: {  	[sflag:s17] =	ssyncset.done $0x0  }
0x4c: {  	vm0 =	vlt.f32 v12, $1.111111120e-01;
	v11 =	vand.u32 $0x7FFFFFFF, v11;
	v7 =	vand.u32 $0x7FFFFFFF, v7;
	[sflag:s17] =	ssyncadd.s32 $0xFFFFD300  }
0x4d: {  	v12 =	vsel vm0, v13, v15;
	v13 =	vmul.f32 v10, v10;
	v14 =	vmul.f32 $4.500000000e+00, v14;
	_ =	swait.ge [sflag:s17], $0x2D00  }
0x4e: {  	v15 =	vadd.f32 $-5.555555600e-02, v11;
	vm9 =	vlt.f32 v11, $1.111111120e-01;
	v10 =	vand.u32 $0x7FFFFFFF, v10;
	[sflag:s17] =	ssyncset.done $0x0  }
0x4f: {  	s22 =	simm.s32 $0x0;
	v9 =	vadd.f32 v12, v9;
	v12 =	vmul.f32 $4.500000000e+00, v13;
	v13 =	vadd.f32 $-5.555555600e-02, v10;
	[sflag:s17] =	ssyncadd.s32 $0xFFFFD300  }
0x50: {  	v8 =	vmul.f32 $4.500000000e+00, v8;
	vm10 =	vlt.f32 v10, $1.111111120e-01;
	v11 =	vsel vm9, v14, v15;
	v10 =	vld [tilespmem:s22+$0x8700]  }
0x51: {  	v2 =	vsub.f32 v2, v3;
	v9 =	vadd.f32 v11, v9;
	v11 =	vsel vm10, v12, v13;
	v13 =	vld [tilespmem:s22+$0xB400]  }
0x52: {  	v12 =	vadd.f32 $-5.555555600e-02, v7;
	v3 =	vmul.f32 v5, v16;
	v5 =	vsub.f32 v17, v18;
	v14 =	vld [tilespmem:s22+$0xE130]  }
0x53: {  	vm11 =	vlt.f32 v7, $1.111111120e-01;
	v4 =	vsub.f32 v4, v6;
	v9 =	vadd.f32 v11, v9;
	v6 =	vld [tilespmem:s22+$0x8730]  }
0x54: {  	v7 =	vsel vm11, v8, v12;
	v8 =	vmul.f32 v3, v3;
	v0 =	vmul.f32 v5, v0;
	v5 =	vld [tilespmem:s22+$0xB430]  }
0x55: {  	v1 =	vmul.f32 v2, v1;
	v2 =	vand.u32 $0x7FFFFFFF, v3;
	v3 =	vmul.f32 v4, v19;
	v11 =	vld [tilespmem:s22+$0xE110]  }
0x56: {  	v7 =	vadd.f32 v7, v9;
	vm12 =	vlt.f32 v2, $1.111111120e-01;
	v4 =	vmul.f32 $4.500000000e+00, v8;
	v15 =	vld [tilespmem:s22+$0x8720]  }
0x57: {  	v8 =	vadd.f32 $-5.555555600e-02, v2;
	v12 =	vmul.f32 v0, v0;
	v0 =	vand.u32 $0x7FFFFFFF, v0;
	v16 =	vld [tilespmem:s22+$0xB420]  }
0x58: {  	v2 =	vmul.f32 v3, v3;
	v9 =	vld [tilespmem:s22+$0xE100];
	v3 =	vand.u32 $0x7FFFFFFF, v3;
	vm13 =	vlt.f32 v0, $1.111111120e-01  }
0x59: {  	v17 =	vld [tilespmem:s22+$0xB410];
	v4 =	vsel vm12, v4, v8;
	v8 =	vmul.f32 $4.500000000e+00, v12;
	v12 =	vadd.f32 $-5.555555600e-02, v0  }
0x5a: {  	s21 =	simm.s32 $0x40;
	v0 =	vmul.f32 $4.500000000e+00, v2;
	v2 =	vadd.f32 $-5.555555600e-02, v3;
	v4 =	vadd.f32 v4, v7;
	v7 =	vld [tilespmem:s22+$0x8710]  }
0x5b: {  	v63 =	vld [tilespmem:s21+$0x8700];
	vm14 =	vlt.f32 v3, $1.111111120e-01;
	v8 =	vsel vm13, v8, v12;
	v12 =	vmul.f32 v1, v1  }
0x5c: {  	v1 =	vand.u32 $0x7FFFFFFF, v1;
	v0 =	vsel vm14, v0, v2;
	v3 =	vadd.f32 v8, v4;
	v4 =	vld [tilespmem:s21+$0xB400]  }
0x5d: {  	v10 =	vsub.f32 v10, v13;
	v13 =	vld [tilespmem:s22+$0xE120];
	v8 =	vmul.f32 $4.500000000e+00, v12;
	v12 =	vadd.f32 $-5.555555600e-02, v1  }
0x5e: {  	v2 =	vld [tilespmem:s21+$0xE130];
	vm15 =	vlt.f32 v1, $1.111111120e-01;
	v5 =	vsub.f32 v6, v5;
	v0 =	vadd.f32 v0, v3  }
0x5f: {  	v1 =	vld [tilespmem:s21+$0x8730];
	v6 =	vmul.f32 v10, v9;
	v3 =	vsel vm15, v8, v12;
	v8 =	vsub.f32 v7, v17  }
0x60: {  	v10 =	vsub.f32 v15, v16;
	v7 =	vmul.f32 v5, v14;
	v5 =	vld [tilespmem:s21+$0x8720];
	v9 =	vadd.f32 v3, v0  }
0x61: {  	v3 =	vld [tilespmem:s21+$0xB430];
	v14 =	vmul.f32 v6, v6;
	v12 =	vand.u32 $0x7FFFFFFF, v6;
	v11 =	vmul.f32 v8, v11  }
0x62: {  	v0 =	vld [tilespmem:s21+$0xE110];
	v4 =	vsub.f32 v63, v4;
	v10 =	vmul.f32 v10, v13;
	v8 =	vmul.f32 v7, v7  }
0x63: {  	s22 =	simm.s32 $0x200;
	v6 =	vld [tilespmem:s21+$0xB420];
	v13 =	vmul.f32 $4.500000000e+00, v14;
	v14 =	vadd.f32 $-5.555555600e-02, v12;
	v15 =	vmul.f32 v11, v11  }
.LBB2_4:
0x64: {  	p0 =	sne.s32 s22, $0xB300;
	v16 =	vld [tilespmem:s21+$0xE100];
	vm0 =	vlt.f32 v12, $1.111111120e-01;
	v11 =	vand.u32 $0x7FFFFFFF, v11;
	v12 =	vmul.f32 v10, v10  }
0x65: {  	v17 =	vld [tilespmem:s21+$0x8710];
	v13 =	vsel vm0, v13, v14;
	v14 =	vmul.f32 $4.500000000e+00, v15;
	v15 =	vadd.f32 $-5.555555600e-02, v11  }
0x66: {  	s23 =	sshra.s32 s22, $0x2;
	v10 =	vand.u32 $0x7FFFFFFF, v10;
	vm0 =	vlt.f32 v11, $1.111111120e-01;
	v18 =	vld [tilespmem:s21+$0xB410];
	v9 =	vadd.f32 v13, v9  }
0x67: {  	v12 =	vmul.f32 $4.500000000e+00, v12;
	v11 =	vld [tilespmem:s23+$0x8700];
	v13 =	vsel vm0, v14, v15;
	v14 =	vadd.f32 $-5.555555600e-02, v10  }
0x68: {  	v7 =	vand.u32 $0x7FFFFFFF, v7;
	vm0 =	vlt.f32 v10, $1.111111120e-01;
	v15 =	vld [tilespmem:s23+$0xB400];
	v9 =	vadd.f32 v13, v9  }
0x69: {  	v8 =	vmul.f32 $4.500000000e+00, v8;
	v13 =	vadd.f32 $-5.555555600e-02, v7;
	v10 =	vld [tilespmem:s21+$0xE120];
	v12 =	vsel vm0, v12, v14;
	s21 =	smov.u32 s23  }
0x6a: {  	v14 =	vsub.f32 v1, v3;
	vm0 =	vlt.f32 v7, $1.111111120e-01;
	v19 =	vld [tilespmem:s21+$0xE130];
	v9 =	vadd.f32 v12, v9  }
.Ltmp1:
0x6b: {  	v12 =	vmul.f32 v4, v16;
	v4 =	vsel vm0, v8, v13;
	v1 =	vld [tilespmem:s21+$0x8730];
	v16 =	vsub.f32 v17, v18;
	(pc) =	sbr.rel @p0 .LBB2_4-.Ltmp1, $4  }
0x6c: {  	v6 =	vsub.f32 v5, v6;
	v7 =	vmul.f32 v14, v2;
	v3 =	vld [tilespmem:s21+$0xB430];
	v9 =	vadd.f32 v4, v9  }
0x6d: {  	v17 =	vmul.f32 v12, v12;
	v4 =	vsub.f32 v11, v15;
	v11 =	vmul.f32 v16, v0;
	v0 =	vld [tilespmem:s21+$0xE110]  }
0x6e: {  	v12 =	vand.u32 $0x7FFFFFFF, v12;
	v8 =	vmul.f32 v7, v7;
	v5 =	vld [tilespmem:s21+$0x8720];
	v10 =	vmul.f32 v6, v10  }
0x6f: {  	s22 =	sadd.s32 $0x100, s22;
	v14 =	vadd.f32 $-5.555555600e-02, v12;
	v13 =	vmul.f32 $4.500000000e+00, v17;
	v6 =	vld [tilespmem:s21+$0xB420];
	v15 =	vmul.f32 v11, v11;
	v2 =	vmovc v19  }
0x70: {  	v16 =	vld [tilespmem:s21+$0xE100];
	vm0 =	vlt.f32 v12, $1.111111120e-01;
	v11 =	vand.u32 $0x7FFFFFFF, v11  }
0x71: {  	v40 =	vmul.f32 v10, v10;
	v17 =	vld [tilespmem:s21+$0x8710];
	v43 =	vand.u32 $0x7FFFFFFF, v10;
	v7 =	vand.u32 $0x7FFFFFFF, v7  }
0x72: {  	v18 =	vld [tilespmem:s21+$0xB410];
	v8 =	vmul.f32 $4.500000000e+00, v8;
	v13 =	vsel vm0, v13, v14;
	v41 =	vmul.f32 $4.500000000e+00, v15  }
0x73: {  	v42 =	vadd.f32 $-5.555555600e-02, v11;
	vm9 =	vlt.f32 v11, $1.111111120e-01;
	v44 =	vadd.f32 $-5.555555600e-02, v43  }
0x74: {  	vm10 =	vlt.f32 v43, $1.111111120e-01;
	v1 =	vsub.f32 v1, v3;
	v9 =	vadd.f32 v13, v9  }
0x75: {  	v45 =	vld [tilespmem:s21+$0xE120];
	v47 =	vadd.f32 $-5.555555600e-02, v7;
	v12 =	vmul.f32 $4.500000000e+00, v40;
	v11 =	vsel vm9, v41, v42  }
0x76: {  	vm11 =	vlt.f32 v7, $1.111111120e-01;
	v1 =	vmul.f32 v1, v2;
	v9 =	vadd.f32 v11, v9  }
0x77: {  	v46 =	vsel vm10, v12, v44;
	v4 =	vmul.f32 v4, v16;
	v49 =	vsub.f32 v17, v18  }
0x78: {  	v5 =	vsub.f32 v5, v6;
	v52 =	vmul.f32 v1, v1;
	v48 =	vadd.f32 v46, v9  }
0x79: {  	v8 =	vsel vm11, v8, v47;
	v51 =	vmul.f32 v4, v4;
	v0 =	vmul.f32 v49, v0  }
0x7a: {  	v5 =	vmul.f32 v5, v45;
	v4 =	vand.u32 $0x7FFFFFFF, v4;
	v50 =	vadd.f32 v8, v48  }
0x7b: {  	v53 =	vadd.f32 $-5.555555600e-02, v4;
	v3 =	vmul.f32 $4.500000000e+00, v51;
	v54 =	vmul.f32 v0, v0  }
0x7c: {  	vm12 =	vlt.f32 v4, $1.111111120e-01;
	v55 =	vmul.f32 v5, v5;
	v0 =	vand.u32 $0x7FFFFFFF, v0  }
0x7d: {  	v57 =	vadd.f32 $-5.555555600e-02, v0;
	v3 =	vsel vm12, v3, v53;
	v56 =	vmul.f32 $4.500000000e+00, v54  }
0x7e: {  	v58 =	vand.u32 $0x7FFFFFFF, v5;
	vm13 =	vlt.f32 v0, $1.111111120e-01;
	v2 =	vadd.f32 v3, v50  }
0x7f: {  	v5 =	vadd.f32 $-5.555555600e-02, v58;
	v4 =	vmul.f32 $4.500000000e+00, v55;
	v59 =	vsel vm13, v56, v57  }
0x80: {  	v60 =	vand.u32 $0x7FFFFFFF, v1;
	vm14 =	vlt.f32 v58, $1.111111120e-01;
	v2 =	vadd.f32 v59, v2  }
0x81: {  	v63 =	vadd.f32 $-5.555555600e-02, v60;
	v62 =	vmul.f32 $4.500000000e+00, v52;
	v61 =	vsel vm14, v4, v5  }
0x82: {  	vm15 =	vlt.f32 v60, $1.111111120e-01;
	v1 =	vadd.f32 v61, v2  }
0x83: {  	v0 =	vsel vm15, v62, v63  }
0x84: {  	s20 =	sadd.s32 $0x1, s20;
	v0 =	vadd.f32 v0, v1  }
0x85: {  	p0 =	sne.s32 s20, s10  }
.Ltmp2:
0x86: {  	[tilespmem:$0x10E00] =	vst v0;
	(pc) =	sbr.rel @p0 .LBB2_1-.Ltmp2, $4  }
0x87: {  	[hbm4b:s9+s2] =	stream.linear.scatter [tilespmem:s18], [sflag:$0x3], $0x80, $0x38;
	[tilespmem:$0x10E80] =	vst v63  }
0x88: {  	_ =	swait.ge [sflag:s19], $0x80  }
0x89: {  	[sflag:s19] =	ssyncset.done $0x0  }
0x8a: {  	[sflag:s19] =	ssyncadd.s32 $0xFFFFFF80  }
0x8b: {  	_ =	sfence.sel $0x180000  }
0x8c: {  	[bflag:$0x0] =	sbarrier.arrive $0xFFFF  }
0x8d: {  	p0 =	sne.s32 s0, $0x0;
	_ =	strace $0x90000047  }
0x8e: {  	s0 =	sadd.s32 @!p0 $0x100000, s1;
	[bflag:$0x2] =	sbarrier.arrive $0xFFFF  }
0x8f: {  	[sflag:s0] =	ssyncadd.tile.s32 @!p0 $0x1;
	_ =	shalt  }
.Lfunc_end2:
_tile_overlayer_lowered:
.L_overlay_start_2:
0x90: {  	(tag) =	ssettag $0x2  }
0x91: {  	s0 =	rddreg [dreg:$0x0];
	s2 =	stileid.u32  }
0x92: {  	s1 =	rddreg [dreg:$0x1];
	p0 =	sne.s32 s2, $0x0  }
0x93: {  	s3 =	rddreg [dreg:$0x2];
	[bflag:$0x3] =	sbarrier.arrive $0xFFFF;
	s2 =	simm.s32 @!p0 $0x1C03  }
0x94: {  	[timem:s3], [sflag:s2] =	dma.local @!p0 [hbm:s0], s1  }
0x95: {  	s0 =	simm.s32 @!p0 $0x3  }
0x96: {  	_ =	swait.ge @!p0 [sflag:s0], s1  }
0x97: {  	s1 =	ssub.s32 @!p0 $0x0, s1;
	[sflag:s0] =	ssyncset.done @!p0 $0x0  }
0x98: {  	[sflag:s0] =	ssyncadd.s32 @!p0 s1  }
0x99: {  	[bflag:$0x3] =	sbarrier.arrive $0xFFFF  }
0x9a: {  	_ =	shalt  }

</sc_bundles>
